<compile_context>
chip_gen: v7x
topology: tpu7x:2x2x1
jax: 0.10.2.dev20260603
libtpu: 0.0.44.dev20260713+nightly
codegen_flags: <defaults>
</compile_context>

<pallas_src>
import functools

import jax
import jax.numpy as jnp
from jax import lax
from jax.experimental import pallas as pl
from jax.experimental.pallas import tpu as pltpu
from jax.experimental.pallas import tpu_sc as plsc

_NC = 2
_NS = 16
_NW = _NC * _NS

_X = 4


def _emb_grid(batch, seq, d_model):
    seq_per_w = batch // _NW
    n_steps = seq_per_w // _X
    n_super = n_steps // 2
    mesh = plsc.VectorSubcoreMesh(core_axis_name="c", subcore_axis_name="s")

    @functools.partial(
        pl.kernel,
        mesh=mesh,
        out_type=jax.ShapeDtypeStruct((batch, seq, d_model), jnp.float32),
        scratch_types=[
            pltpu.VMEM((seq_per_w, seq), jnp.int32),
            pltpu.VMEM((2, _X, seq, d_model), jnp.float32),
            pltpu.SemaphoreType.DMA,
            pltpu.SemaphoreType.DMA,
            pltpu.SemaphoreType.DMA,
            pltpu.SemaphoreType.DMA,
        ],
        compiler_params=pltpu.CompilerParams(use_tc_tiling_on_sc=False),
    )
    def emb(idx_hbm, table_hbm, out_hbm, idx_v, rows_v, g0, g1, s0, s1):
        wid = lax.axis_index("s") * _NC + lax.axis_index("c")
        base_seq = wid * seq_per_w
        gsem = (g0, g1)
        ssem = (s0, s1)

        pltpu.sync_copy(idx_hbm.at[pl.ds(base_seq, seq_per_w)], idx_v)

        def fire_gathers(step, slot):
            for j in range(_X):
                pltpu.async_copy(
                    table_hbm.at[idx_v.at[step * _X + j]],
                    rows_v.at[slot, j],
                    gsem[slot],
                )

        def wait_gathers(slot):
            pltpu.make_async_copy(
                out_hbm.at[pl.ds(0, _X)], rows_v.at[slot], gsem[slot]
            ).wait()

        def fire_store(step, slot):
            pltpu.async_copy(
                rows_v.at[slot],
                out_hbm.at[pl.ds(base_seq + step * _X, _X)],
                ssem[slot],
            )

        def wait_store(slot):
            pltpu.make_async_copy(
                rows_v.at[slot], out_hbm.at[pl.ds(0, _X)], ssem[slot]
            ).wait()

        fire_gathers(0, 0)
        fire_gathers(1, 1)
        wait_gathers(0)
        fire_store(0, 0)

        def superstep(t, carry):
            for b in range(2):
                k = 2 * t + b
                wait_store(b)
                fire_gathers(k, b)
                wait_gathers(1 - b)
                fire_store(k - 1, 1 - b)
            return carry

        lax.fori_loop(1, n_super, superstep, 0)

        wait_gathers(1)
        fire_store(n_steps - 1, 1)
        wait_store(0)
        wait_store(1)

    return emb


def kernel(tokens, token_emb):
    b, s = tokens.shape
    v, d = token_emb.shape
    return _emb_grid(b, s, d)(tokens.astype(jnp.int32), token_emb)

# --- scband reference (transcript-rebuilt; emitter-appended) ---
"""Pipeline reference for scband-text-embedding-36825049596078 (READ-ONLY COPY).

The authoritative reference and input builder live on the scoring server;
editing this copy changes nothing except your own understanding.
"""

import jax, jax.numpy as jnp
import numpy as np

VOCAB = 1000000
D_MODEL = 64
BATCH = 4096
SEQ = 200


def setup_inputs(seed: int = 0) -> dict:
    key = jax.random.key(seed)
    k_tok, k_tab = jax.random.split(key)
    tokens = jax.random.randint(k_tok, (BATCH, SEQ), 0, VOCAB, dtype=jnp.int64 if jax.config.read('jax_enable_x64') else jnp.int32)
    # embedding table, ~N(0,1) like nn.Embedding default init
    token_emb = jax.random.normal(k_tab, (VOCAB, D_MODEL), dtype=jnp.float32)
    return {"tokens": tokens, "token_emb": token_emb}


def reference(tokens, token_emb):
    # faithful translation of TextEmbedding.forward: x = self.token_emb(tokens)
    x = jnp.take(token_emb, tokens, axis=0)
    return x

if __name__ == "__main__":
    import jax
    _d = setup_inputs()
    print(jax.jit(kernel)(*tuple(_d.values())))

</pallas_src>

<mosaic_0001>
#map = affine_map<(d0, d1) -> (0, 0)>
#map1 = affine_map<(d0, d1) -> (0, 0, 0)>
module attributes {stable_mosaic.version = 14 : i64} {
  func.func @emb(%arg0: i32, %arg1: i32, %arg2: memref<4096x200xi32, #tpu.memory_space<hbm>>, %arg3: memref<1000000x64xf32, #tpu.memory_space<hbm>>, %arg4: memref<4096x200x64xf32, #tpu.memory_space<hbm>>, %arg5: memref<128x200xi32, #tpu.memory_space<vmem>>, %arg6: memref<2x4x200x64xf32, #tpu.memory_space<vmem>>, %arg7: memref<!tpu.dma_semaphore, #tpu.memory_space<semaphore_mem>>, %arg8: memref<!tpu.dma_semaphore, #tpu.memory_space<semaphore_mem>>, %arg9: memref<!tpu.dma_semaphore, #tpu.memory_space<semaphore_mem>>, %arg10: memref<!tpu.dma_semaphore, #tpu.memory_space<semaphore_mem>>) attributes {dimension_semantics = [#tpu.dimension_semantics<core_parallel>, #tpu.dimension_semantics<subcore_parallel>], iteration_bounds = array<i64: 2, 16>, scalar_prefetch = 0 : i64, scratch_operands = 6 : i64, tpu.core_type = #tpu.core_type<sc_vector_subcore>, window_params = [{transform_indices = #map}, {transform_indices = #map}, {transform_indices = #map1}]} {
    %mul3A = arith.constant 2 : i32
    %mul3A_0 = arith.muli %arg1, %mul3A : i32
    %add3A = arith.addi %mul3A_0, %arg0 : i32
    %mul3A_1 = arith.constant 128 : i32
    %mul3A_2 = arith.muli %add3A, %mul3A_1 : i32
    "tpu.region"() ({
      %run_scoped3A = tpu.sem_alloc : memref<!tpu.dma_semaphore, #tpu.memory_space<semaphore_mem>>
      %dma_start3A_224 = arith.constant 0 : i32
      %dma_start3A_225 = tpu.memref_slice %arg2[%mul3A_2, %dma_start3A_224] : memref<4096x200xi32, #tpu.memory_space<hbm>> -> memref<128x200xi32, #tpu.memory_space<hbm>>
      %dma_start3A_226 = arith.constant 0 : i32
      %dma_start3A_227 = tpu.memref_slice %arg2[%mul3A_2, %dma_start3A_226] : memref<4096x200xi32, #tpu.memory_space<hbm>> -> memref<128x200xi32, #tpu.memory_space<hbm>>
      tpu.enqueue_dma source(%dma_start3A_227 : memref<128x200xi32, #tpu.memory_space<hbm>>) target(%arg5 : memref<128x200xi32, #tpu.memory_space<vmem>>) target_semaphore(%run_scoped3A : memref<!tpu.dma_semaphore, #tpu.memory_space<semaphore_mem>>)
      %dma_wait3A_228 = arith.constant 0 : i32
      %dma_wait3A_229 = tpu.memref_slice %arg2[%mul3A_2, %dma_wait3A_228] : memref<4096x200xi32, #tpu.memory_space<hbm>> -> memref<128x200xi32, #tpu.memory_space<hbm>>
      %dma_wait3A_230 = arith.constant 0 : i32
      %dma_wait3A_231 = tpu.memref_slice %arg2[%mul3A_2, %dma_wait3A_230] : memref<4096x200xi32, #tpu.memory_space<hbm>> -> memref<128x200xi32, #tpu.memory_space<hbm>>
      tpu.wait_dma2 semaphore(%run_scoped3A : memref<!tpu.dma_semaphore, #tpu.memory_space<semaphore_mem>>) src(%dma_wait3A_231 : memref<128x200xi32, #tpu.memory_space<hbm>>) dst(%arg5 : memref<128x200xi32, #tpu.memory_space<vmem>>)
      tpu.yield
    }) : () -> ()
    %dma_start3A = arith.constant 0 : i32
    %dma_start3A_3 = arith.constant 0 : i32
    %dma_start3A_4 = arith.constant 0 : i32
    %dma_start3A_5 = arith.constant 0 : i32
    %dma_start3A_6 = arith.constant 0 : i32
    %dma_start3A_7 = tpu.memref_slice %arg6[%dma_start3A_3, %dma_start3A_4, %dma_start3A_5, %dma_start3A_6] : memref<2x4x200x64xf32, #tpu.memory_space<vmem>> -> memref<1x1x200x64xf32, #tpu.memory_space<vmem>>
    %dma_start3A_8 = tpu.memref_squeeze %dma_start3A_7 : memref<1x1x200x64xf32, #tpu.memory_space<vmem>> -> memref<200x64xf32, #tpu.memory_space<vmem>>
    %dma_start3A_9 = arith.constant 0 : i32
    %dma_start3A_10 = tpu.memref_slice %arg5[%dma_start3A, %dma_start3A_9] : memref<128x200xi32, #tpu.memory_space<vmem>> -> memref<1x200xi32, #tpu.memory_space<vmem>>
    %dma_start3A_11 = tpu.memref_squeeze %dma_start3A_10 : memref<1x200xi32, #tpu.memory_space<vmem>> -> memref<200xi32, #tpu.memory_space<vmem>>
    %dma_start3A_12 = arith.constant 0 : i32
    %dma_start3A_13 = arith.constant 0 : i32
    %dma_start3A_14 = tpu.memref_slice %arg3[%dma_start3A_12, %dma_start3A_13] : memref<1000000x64xf32, #tpu.memory_space<hbm>> -> memref<1000000x64xf32, #tpu.memory_space<hbm>>
    tpu.enqueue_indirect_dma source(%dma_start3A_14 : memref<1000000x64xf32, #tpu.memory_space<hbm>>) target(%dma_start3A_8 : memref<200x64xf32, #tpu.memory_space<vmem>>) offsets(%dma_start3A_11 : memref<200xi32, #tpu.memory_space<vmem>>) semaphore(%arg7 : memref<!tpu.dma_semaphore, #tpu.memory_space<semaphore_mem>>)
    %dma_start3A_15 = arith.constant 1 : i32
    %dma_start3A_16 = arith.constant 0 : i32
    %dma_start3A_17 = arith.constant 1 : i32
    %dma_start3A_18 = arith.constant 0 : i32
    %dma_start3A_19 = arith.constant 0 : i32
    %dma_start3A_20 = tpu.memref_slice %arg6[%dma_start3A_16, %dma_start3A_17, %dma_start3A_18, %dma_start3A_19] : memref<2x4x200x64xf32, #tpu.memory_space<vmem>> -> memref<1x1x200x64xf32, #tpu.memory_space<vmem>>
    %dma_start3A_21 = tpu.memref_squeeze %dma_start3A_20 : memref<1x1x200x64xf32, #tpu.memory_space<vmem>> -> memref<200x64xf32, #tpu.memory_space<vmem>>
    %dma_start3A_22 = arith.constant 0 : i32
    %dma_start3A_23 = tpu.memref_slice %arg5[%dma_start3A_15, %dma_start3A_22] : memref<128x200xi32, #tpu.memory_space<vmem>> -> memref<1x200xi32, #tpu.memory_space<vmem>>
    %dma_start3A_24 = tpu.memref_squeeze %dma_start3A_23 : memref<1x200xi32, #tpu.memory_space<vmem>> -> memref<200xi32, #tpu.memory_space<vmem>>
    %dma_start3A_25 = arith.constant 0 : i32
    %dma_start3A_26 = arith.constant 0 : i32
    %dma_start3A_27 = tpu.memref_slice %arg3[%dma_start3A_25, %dma_start3A_26] : memref<1000000x64xf32, #tpu.memory_space<hbm>> -> memref<1000000x64xf32, #tpu.memory_space<hbm>>
    tpu.enqueue_indirect_dma source(%dma_start3A_27 : memref<1000000x64xf32, #tpu.memory_space<hbm>>) target(%dma_start3A_21 : memref<200x64xf32, #tpu.memory_space<vmem>>) offsets(%dma_start3A_24 : memref<200xi32, #tpu.memory_space<vmem>>) semaphore(%arg7 : memref<!tpu.dma_semaphore, #tpu.memory_space<semaphore_mem>>)
    %dma_start3A_28 = arith.constant 2 : i32
    %dma_start3A_29 = arith.constant 0 : i32
    %dma_start3A_30 = arith.constant 2 : i32
    %dma_start3A_31 = arith.constant 0 : i32
    %dma_start3A_32 = arith.constant 0 : i32
    %dma_start3A_33 = tpu.memref_slice %arg6[%dma_start3A_29, %dma_start3A_30, %dma_start3A_31, %dma_start3A_32] : memref<2x4x200x64xf32, #tpu.memory_space<vmem>> -> memref<1x1x200x64xf32, #tpu.memory_space<vmem>>
    %dma_start3A_34 = tpu.memref_squeeze %dma_start3A_33 : memref<1x1x200x64xf32, #tpu.memory_space<vmem>> -> memref<200x64xf32, #tpu.memory_space<vmem>>
    %dma_start3A_35 = arith.constant 0 : i32
    %dma_start3A_36 = tpu.memref_slice %arg5[%dma_start3A_28, %dma_start3A_35] : memref<128x200xi32, #tpu.memory_space<vmem>> -> memref<1x200xi32, #tpu.memory_space<vmem>>
    %dma_start3A_37 = tpu.memref_squeeze %dma_start3A_36 : memref<1x200xi32, #tpu.memory_space<vmem>> -> memref<200xi32, #tpu.memory_space<vmem>>
    %dma_start3A_38 = arith.constant 0 : i32
    %dma_start3A_39 = arith.constant 0 : i32
    %dma_start3A_40 = tpu.memref_slice %arg3[%dma_start3A_38, %dma_start3A_39] : memref<1000000x64xf32, #tpu.memory_space<hbm>> -> memref<1000000x64xf32, #tpu.memory_space<hbm>>
    tpu.enqueue_indirect_dma source(%dma_start3A_40 : memref<1000000x64xf32, #tpu.memory_space<hbm>>) target(%dma_start3A_34 : memref<200x64xf32, #tpu.memory_space<vmem>>) offsets(%dma_start3A_37 : memref<200xi32, #tpu.memory_space<vmem>>) semaphore(%arg7 : memref<!tpu.dma_semaphore, #tpu.memory_space<semaphore_mem>>)
    %dma_start3A_41 = arith.constant 3 : i32
    %dma_start3A_42 = arith.constant 0 : i32
    %dma_start3A_43 = arith.constant 3 : i32
    %dma_start3A_44 = arith.constant 0 : i32
    %dma_start3A_45 = arith.constant 0 : i32
    %dma_start3A_46 = tpu.memref_slice %arg6[%dma_start3A_42, %dma_start3A_43, %dma_start3A_44, %dma_start3A_45] : memref<2x4x200x64xf32, #tpu.memory_space<vmem>> -> memref<1x1x200x64xf32, #tpu.memory_space<vmem>>
    %dma_start3A_47 = tpu.memref_squeeze %dma_start3A_46 : memref<1x1x200x64xf32, #tpu.memory_space<vmem>> -> memref<200x64xf32, #tpu.memory_space<vmem>>
    %dma_start3A_48 = arith.constant 0 : i32
    %dma_start3A_49 = tpu.memref_slice %arg5[%dma_start3A_41, %dma_start3A_48] : memref<128x200xi32, #tpu.memory_space<vmem>> -> memref<1x200xi32, #tpu.memory_space<vmem>>
    %dma_start3A_50 = tpu.memref_squeeze %dma_start3A_49 : memref<1x200xi32, #tpu.memory_space<vmem>> -> memref<200xi32, #tpu.memory_space<vmem>>
    %dma_start3A_51 = arith.constant 0 : i32
    %dma_start3A_52 = arith.constant 0 : i32
    %dma_start3A_53 = tpu.memref_slice %arg3[%dma_start3A_51, %dma_start3A_52] : memref<1000000x64xf32, #tpu.memory_space<hbm>> -> memref<1000000x64xf32, #tpu.memory_space<hbm>>
    tpu.enqueue_indirect_dma source(%dma_start3A_53 : memref<1000000x64xf32, #tpu.memory_space<hbm>>) target(%dma_start3A_47 : memref<200x64xf32, #tpu.memory_space<vmem>>) offsets(%dma_start3A_50 : memref<200xi32, #tpu.memory_space<vmem>>) semaphore(%arg7 : memref<!tpu.dma_semaphore, #tpu.memory_space<semaphore_mem>>)
    %dma_start3A_54 = arith.constant 4 : i32
    %dma_start3A_55 = arith.constant 1 : i32
    %dma_start3A_56 = arith.constant 0 : i32
    %dma_start3A_57 = arith.constant 0 : i32
    %dma_start3A_58 = arith.constant 0 : i32
    %dma_start3A_59 = tpu.memref_slice %arg6[%dma_start3A_55, %dma_start3A_56, %dma_start3A_57, %dma_start3A_58] : memref<2x4x200x64xf32, #tpu.memory_space<vmem>> -> memref<1x1x200x64xf32, #tpu.memory_space<vmem>>
    %dma_start3A_60 = tpu.memref_squeeze %dma_start3A_59 : memref<1x1x200x64xf32, #tpu.memory_space<vmem>> -> memref<200x64xf32, #tpu.memory_space<vmem>>
    %dma_start3A_61 = arith.constant 0 : i32
    %dma_start3A_62 = tpu.memref_slice %arg5[%dma_start3A_54, %dma_start3A_61] : memref<128x200xi32, #tpu.memory_space<vmem>> -> memref<1x200xi32, #tpu.memory_space<vmem>>
    %dma_start3A_63 = tpu.memref_squeeze %dma_start3A_62 : memref<1x200xi32, #tpu.memory_space<vmem>> -> memref<200xi32, #tpu.memory_space<vmem>>
    %dma_start3A_64 = arith.constant 0 : i32
    %dma_start3A_65 = arith.constant 0 : i32
    %dma_start3A_66 = tpu.memref_slice %arg3[%dma_start3A_64, %dma_start3A_65] : memref<1000000x64xf32, #tpu.memory_space<hbm>> -> memref<1000000x64xf32, #tpu.memory_space<hbm>>
    tpu.enqueue_indirect_dma source(%dma_start3A_66 : memref<1000000x64xf32, #tpu.memory_space<hbm>>) target(%dma_start3A_60 : memref<200x64xf32, #tpu.memory_space<vmem>>) offsets(%dma_start3A_63 : memref<200xi32, #tpu.memory_space<vmem>>) semaphore(%arg8 : memref<!tpu.dma_semaphore, #tpu.memory_space<semaphore_mem>>)
    %dma_start3A_67 = arith.constant 5 : i32
    %dma_start3A_68 = arith.constant 1 : i32
    %dma_start3A_69 = arith.constant 1 : i32
    %dma_start3A_70 = arith.constant 0 : i32
    %dma_start3A_71 = arith.constant 0 : i32
    %dma_start3A_72 = tpu.memref_slice %arg6[%dma_start3A_68, %dma_start3A_69, %dma_start3A_70, %dma_start3A_71] : memref<2x4x200x64xf32, #tpu.memory_space<vmem>> -> memref<1x1x200x64xf32, #tpu.memory_space<vmem>>
    %dma_start3A_73 = tpu.memref_squeeze %dma_start3A_72 : memref<1x1x200x64xf32, #tpu.memory_space<vmem>> -> memref<200x64xf32, #tpu.memory_space<vmem>>
    %dma_start3A_74 = arith.constant 0 : i32
    %dma_start3A_75 = tpu.memref_slice %arg5[%dma_start3A_67, %dma_start3A_74] : memref<128x200xi32, #tpu.memory_space<vmem>> -> memref<1x200xi32, #tpu.memory_space<vmem>>
    %dma_start3A_76 = tpu.memref_squeeze %dma_start3A_75 : memref<1x200xi32, #tpu.memory_space<vmem>> -> memref<200xi32, #tpu.memory_space<vmem>>
    %dma_start3A_77 = arith.constant 0 : i32
    %dma_start3A_78 = arith.constant 0 : i32
    %dma_start3A_79 = tpu.memref_slice %arg3[%dma_start3A_77, %dma_start3A_78] : memref<1000000x64xf32, #tpu.memory_space<hbm>> -> memref<1000000x64xf32, #tpu.memory_space<hbm>>
    tpu.enqueue_indirect_dma source(%dma_start3A_79 : memref<1000000x64xf32, #tpu.memory_space<hbm>>) target(%dma_start3A_73 : memref<200x64xf32, #tpu.memory_space<vmem>>) offsets(%dma_start3A_76 : memref<200xi32, #tpu.memory_space<vmem>>) semaphore(%arg8 : memref<!tpu.dma_semaphore, #tpu.memory_space<semaphore_mem>>)
    %dma_start3A_80 = arith.constant 6 : i32
    %dma_start3A_81 = arith.constant 1 : i32
    %dma_start3A_82 = arith.constant 2 : i32
    %dma_start3A_83 = arith.constant 0 : i32
    %dma_start3A_84 = arith.constant 0 : i32
    %dma_start3A_85 = tpu.memref_slice %arg6[%dma_start3A_81, %dma_start3A_82, %dma_start3A_83, %dma_start3A_84] : memref<2x4x200x64xf32, #tpu.memory_space<vmem>> -> memref<1x1x200x64xf32, #tpu.memory_space<vmem>>
    %dma_start3A_86 = tpu.memref_squeeze %dma_start3A_85 : memref<1x1x200x64xf32, #tpu.memory_space<vmem>> -> memref<200x64xf32, #tpu.memory_space<vmem>>
    %dma_start3A_87 = arith.constant 0 : i32
    %dma_start3A_88 = tpu.memref_slice %arg5[%dma_start3A_80, %dma_start3A_87] : memref<128x200xi32, #tpu.memory_space<vmem>> -> memref<1x200xi32, #tpu.memory_space<vmem>>
    %dma_start3A_89 = tpu.memref_squeeze %dma_start3A_88 : memref<1x200xi32, #tpu.memory_space<vmem>> -> memref<200xi32, #tpu.memory_space<vmem>>
    %dma_start3A_90 = arith.constant 0 : i32
    %dma_start3A_91 = arith.constant 0 : i32
    %dma_start3A_92 = tpu.memref_slice %arg3[%dma_start3A_90, %dma_start3A_91] : memref<1000000x64xf32, #tpu.memory_space<hbm>> -> memref<1000000x64xf32, #tpu.memory_space<hbm>>
    tpu.enqueue_indirect_dma source(%dma_start3A_92 : memref<1000000x64xf32, #tpu.memory_space<hbm>>) target(%dma_start3A_86 : memref<200x64xf32, #tpu.memory_space<vmem>>) offsets(%dma_start3A_89 : memref<200xi32, #tpu.memory_space<vmem>>) semaphore(%arg8 : memref<!tpu.dma_semaphore, #tpu.memory_space<semaphore_mem>>)
    %dma_start3A_93 = arith.constant 7 : i32
    %dma_start3A_94 = arith.constant 1 : i32
    %dma_start3A_95 = arith.constant 3 : i32
    %dma_start3A_96 = arith.constant 0 : i32
    %dma_start3A_97 = arith.constant 0 : i32
    %dma_start3A_98 = tpu.memref_slice %arg6[%dma_start3A_94, %dma_start3A_95, %dma_start3A_96, %dma_start3A_97] : memref<2x4x200x64xf32, #tpu.memory_space<vmem>> -> memref<1x1x200x64xf32, #tpu.memory_space<vmem>>
    %dma_start3A_99 = tpu.memref_squeeze %dma_start3A_98 : memref<1x1x200x64xf32, #tpu.memory_space<vmem>> -> memref<200x64xf32, #tpu.memory_space<vmem>>
    %dma_start3A_100 = arith.constant 0 : i32
    %dma_start3A_101 = tpu.memref_slice %arg5[%dma_start3A_93, %dma_start3A_100] : memref<128x200xi32, #tpu.memory_space<vmem>> -> memref<1x200xi32, #tpu.memory_space<vmem>>
    %dma_start3A_102 = tpu.memref_squeeze %dma_start3A_101 : memref<1x200xi32, #tpu.memory_space<vmem>> -> memref<200xi32, #tpu.memory_space<vmem>>
    %dma_start3A_103 = arith.constant 0 : i32
    %dma_start3A_104 = arith.constant 0 : i32
    %dma_start3A_105 = tpu.memref_slice %arg3[%dma_start3A_103, %dma_start3A_104] : memref<1000000x64xf32, #tpu.memory_space<hbm>> -> memref<1000000x64xf32, #tpu.memory_space<hbm>>
    tpu.enqueue_indirect_dma source(%dma_start3A_105 : memref<1000000x64xf32, #tpu.memory_space<hbm>>) target(%dma_start3A_99 : memref<200x64xf32, #tpu.memory_space<vmem>>) offsets(%dma_start3A_102 : memref<200xi32, #tpu.memory_space<vmem>>) semaphore(%arg8 : memref<!tpu.dma_semaphore, #tpu.memory_space<semaphore_mem>>)
    %dma_wait3A = arith.constant 0 : i32
    %dma_wait3A_106 = arith.constant 0 : i32
    %dma_wait3A_107 = arith.constant 0 : i32
    %dma_wait3A_108 = arith.constant 0 : i32
    %dma_wait3A_109 = tpu.memref_slice %arg6[%dma_wait3A, %dma_wait3A_106, %dma_wait3A_107, %dma_wait3A_108] : memref<2x4x200x64xf32, #tpu.memory_space<vmem>> -> memref<1x4x200x64xf32, #tpu.memory_space<vmem>>
    %dma_wait3A_110 = tpu.memref_squeeze %dma_wait3A_109 : memref<1x4x200x64xf32, #tpu.memory_space<vmem>> -> memref<4x200x64xf32, #tpu.memory_space<vmem>>
    %dma_wait3A_111 = arith.constant 0 : i32
    %dma_wait3A_112 = arith.constant 0 : i32
    %dma_wait3A_113 = arith.constant 0 : i32
    %dma_wait3A_114 = tpu.memref_slice %arg4[%dma_wait3A_111, %dma_wait3A_112, %dma_wait3A_113] : memref<4096x200x64xf32, #tpu.memory_space<hbm>> -> memref<4x200x64xf32, #tpu.memory_space<hbm>>
    %dma_wait3A_115 = arith.constant 0 : i32
    %dma_wait3A_116 = arith.constant 0 : i32
    %dma_wait3A_117 = arith.constant 0 : i32
    %dma_wait3A_118 = tpu.memref_slice %arg6[%dma_wait3A, %dma_wait3A_115, %dma_wait3A_116, %dma_wait3A_117] : memref<2x4x200x64xf32, #tpu.memory_space<vmem>> -> memref<1x4x200x64xf32, #tpu.memory_space<vmem>>
    %dma_wait3A_119 = tpu.memref_squeeze %dma_wait3A_118 : memref<1x4x200x64xf32, #tpu.memory_space<vmem>> -> memref<4x200x64xf32, #tpu.memory_space<vmem>>
    %dma_wait3A_120 = arith.constant 0 : i32
    %dma_wait3A_121 = arith.constant 0 : i32
    %dma_wait3A_122 = arith.constant 0 : i32
    %dma_wait3A_123 = tpu.memref_slice %arg4[%dma_wait3A_120, %dma_wait3A_121, %dma_wait3A_122] : memref<4096x200x64xf32, #tpu.memory_space<hbm>> -> memref<4x200x64xf32, #tpu.memory_space<hbm>>
    tpu.wait_dma2 semaphore(%arg7 : memref<!tpu.dma_semaphore, #tpu.memory_space<semaphore_mem>>) src(%dma_wait3A_123 : memref<4x200x64xf32, #tpu.memory_space<hbm>>) dst(%dma_wait3A_119 : memref<4x200x64xf32, #tpu.memory_space<vmem>>)
    %add3A_124 = arith.constant 0 : i32
    %add3A_125 = arith.addi %mul3A_2, %add3A_124 : i32
    %dma_start3A_126 = arith.constant 0 : i32
    %dma_start3A_127 = arith.constant 0 : i32
    %dma_start3A_128 = arith.constant 0 : i32
    %dma_start3A_129 = arith.constant 0 : i32
    %dma_start3A_130 = tpu.memref_slice %arg6[%dma_start3A_126, %dma_start3A_127, %dma_start3A_128, %dma_start3A_129] : memref<2x4x200x64xf32, #tpu.memory_space<vmem>> -> memref<1x4x200x64xf32, #tpu.memory_space<vmem>>
    %dma_start3A_131 = tpu.memref_squeeze %dma_start3A_130 : memref<1x4x200x64xf32, #tpu.memory_space<vmem>> -> memref<4x200x64xf32, #tpu.memory_space<vmem>>
    %dma_start3A_132 = arith.constant 0 : i32
    %dma_start3A_133 = arith.constant 0 : i32
    %dma_start3A_134 = tpu.memref_slice %arg4[%add3A_125, %dma_start3A_132, %dma_start3A_133] : memref<4096x200x64xf32, #tpu.memory_space<hbm>> -> memref<4x200x64xf32, #tpu.memory_space<hbm>>
    %dma_start3A_135 = arith.constant 0 : i32
    %dma_start3A_136 = arith.constant 0 : i32
    %dma_start3A_137 = tpu.memref_slice %arg4[%add3A_125, %dma_start3A_135, %dma_start3A_136] : memref<4096x200x64xf32, #tpu.memory_space<hbm>> -> memref<4x200x64xf32, #tpu.memory_space<hbm>>
    %dma_start3A_138 = arith.constant 0 : i32
    %dma_start3A_139 = arith.constant 0 : i32
    %dma_start3A_140 = arith.constant 0 : i32
    %dma_start3A_141 = tpu.memref_slice %arg6[%dma_start3A_126, %dma_start3A_138, %dma_start3A_139, %dma_start3A_140] : memref<2x4x200x64xf32, #tpu.memory_space<vmem>> -> memref<1x4x200x64xf32, #tpu.memory_space<vmem>>
    %dma_start3A_142 = tpu.memref_squeeze %dma_start3A_141 : memref<1x4x200x64xf32, #tpu.memory_space<vmem>> -> memref<4x200x64xf32, #tpu.memory_space<vmem>>
    tpu.enqueue_dma source(%dma_start3A_142 : memref<4x200x64xf32, #tpu.memory_space<vmem>>) target(%dma_start3A_137 : memref<4x200x64xf32, #tpu.memory_space<hbm>>) target_semaphore(%arg9 : memref<!tpu.dma_semaphore, #tpu.memory_space<semaphore_mem>>)
    %scan3A = arith.constant 0 : i32
    %scan3A_143 = arith.constant 1 : i32
    %scan3A_144 = arith.constant 15 : i32
    %scan3A_145 = arith.addi %scan3A_143, %scan3A_144 : i32
    %scan3A_146 = arith.constant 1 : i32
    scf.for %scan3A_224 = %scan3A_143 to %scan3A_145 step %scan3A_146  : i32 {
      %mul3A_225 = arith.constant 2 : i32
      %mul3A_226 = arith.muli %mul3A_225, %scan3A_224 : i32
      %add3A_227 = arith.constant 0 : i32
      %add3A_228 = arith.addi %mul3A_226, %add3A_227 : i32
      %dma_wait3A_229 = arith.constant 0 : i32
      %dma_wait3A_230 = arith.constant 0 : i32
      %dma_wait3A_231 = arith.constant 0 : i32
      %dma_wait3A_232 = arith.constant 0 : i32
      %dma_wait3A_233 = tpu.memref_slice %arg6[%dma_wait3A_229, %dma_wait3A_230, %dma_wait3A_231, %dma_wait3A_232] : memref<2x4x200x64xf32, #tpu.memory_space<vmem>> -> memref<1x4x200x64xf32, #tpu.memory_space<vmem>>
      %dma_wait3A_234 = tpu.memref_squeeze %dma_wait3A_233 : memref<1x4x200x64xf32, #tpu.memory_space<vmem>> -> memref<4x200x64xf32, #tpu.memory_space<vmem>>
      %dma_wait3A_235 = arith.constant 0 : i32
      %dma_wait3A_236 = arith.constant 0 : i32
      %dma_wait3A_237 = arith.constant 0 : i32
      %dma_wait3A_238 = tpu.memref_slice %arg4[%dma_wait3A_235, %dma_wait3A_236, %dma_wait3A_237] : memref<4096x200x64xf32, #tpu.memory_space<hbm>> -> memref<4x200x64xf32, #tpu.memory_space<hbm>>
      %dma_wait3A_239 = arith.constant 0 : i32
      %dma_wait3A_240 = arith.constant 0 : i32
      %dma_wait3A_241 = arith.constant 0 : i32
      %dma_wait3A_242 = tpu.memref_slice %arg4[%dma_wait3A_239, %dma_wait3A_240, %dma_wait3A_241] : memref<4096x200x64xf32, #tpu.memory_space<hbm>> -> memref<4x200x64xf32, #tpu.memory_space<hbm>>
      %dma_wait3A_243 = arith.constant 0 : i32
      %dma_wait3A_244 = arith.constant 0 : i32
      %dma_wait3A_245 = arith.constant 0 : i32
      %dma_wait3A_246 = tpu.memref_slice %arg6[%dma_wait3A_229, %dma_wait3A_243, %dma_wait3A_244, %dma_wait3A_245] : memref<2x4x200x64xf32, #tpu.memory_space<vmem>> -> memref<1x4x200x64xf32, #tpu.memory_space<vmem>>
      %dma_wait3A_247 = tpu.memref_squeeze %dma_wait3A_246 : memref<1x4x200x64xf32, #tpu.memory_space<vmem>> -> memref<4x200x64xf32, #tpu.memory_space<vmem>>
      tpu.wait_dma2 semaphore(%arg9 : memref<!tpu.dma_semaphore, #tpu.memory_space<semaphore_mem>>) src(%dma_wait3A_247 : memref<4x200x64xf32, #tpu.memory_space<vmem>>) dst(%dma_wait3A_242 : memref<4x200x64xf32, #tpu.memory_space<hbm>>)
      %mul3A_248 = arith.constant 4 : i32
      %mul3A_249 = arith.muli %add3A_228, %mul3A_248 : i32
      %add3A_250 = arith.constant 0 : i32
      %add3A_251 = arith.addi %mul3A_249, %add3A_250 : i32
      %dma_start3A_252 = arith.constant 0 : i32
      %dma_start3A_253 = arith.constant 0 : i32
      %dma_start3A_254 = arith.constant 0 : i32
      %dma_start3A_255 = arith.constant 0 : i32
      %dma_start3A_256 = tpu.memref_slice %arg6[%dma_start3A_252, %dma_start3A_253, %dma_start3A_254, %dma_start3A_255] : memref<2x4x200x64xf32, #tpu.memory_space<vmem>> -> memref<1x1x200x64xf32, #tpu.memory_space<vmem>>
      %dma_start3A_257 = tpu.memref_squeeze %dma_start3A_256 : memref<1x1x200x64xf32, #tpu.memory_space<vmem>> -> memref<200x64xf32, #tpu.memory_space<vmem>>
      %dma_start3A_258 = arith.constant 0 : i32
      %dma_start3A_259 = tpu.memref_slice %arg5[%add3A_251, %dma_start3A_258] : memref<128x200xi32, #tpu.memory_space<vmem>> -> memref<1x200xi32, #tpu.memory_space<vmem>>
      %dma_start3A_260 = tpu.memref_squeeze %dma_start3A_259 : memref<1x200xi32, #tpu.memory_space<vmem>> -> memref<200xi32, #tpu.memory_space<vmem>>
      %dma_start3A_261 = arith.constant 0 : i32
      %dma_start3A_262 = arith.constant 0 : i32
      %dma_start3A_263 = tpu.memref_slice %arg3[%dma_start3A_261, %dma_start3A_262] : memref<1000000x64xf32, #tpu.memory_space<hbm>> -> memref<1000000x64xf32, #tpu.memory_space<hbm>>
      tpu.enqueue_indirect_dma source(%dma_start3A_263 : memref<1000000x64xf32, #tpu.memory_space<hbm>>) target(%dma_start3A_257 : memref<200x64xf32, #tpu.memory_space<vmem>>) offsets(%dma_start3A_260 : memref<200xi32, #tpu.memory_space<vmem>>) semaphore(%arg7 : memref<!tpu.dma_semaphore, #tpu.memory_space<semaphore_mem>>)
      %mul3A_264 = arith.constant 4 : i32
      %mul3A_265 = arith.muli %add3A_228, %mul3A_264 : i32
      %add3A_266 = arith.constant 1 : i32
      %add3A_267 = arith.addi %mul3A_265, %add3A_266 : i32
      %dma_start3A_268 = arith.constant 0 : i32
      %dma_start3A_269 = arith.constant 1 : i32
      %dma_start3A_270 = arith.constant 0 : i32
      %dma_start3A_271 = arith.constant 0 : i32
      %dma_start3A_272 = tpu.memref_slice %arg6[%dma_start3A_268, %dma_start3A_269, %dma_start3A_270, %dma_start3A_271] : memref<2x4x200x64xf32, #tpu.memory_space<vmem>> -> memref<1x1x200x64xf32, #tpu.memory_space<vmem>>
      %dma_start3A_273 = tpu.memref_squeeze %dma_start3A_272 : memref<1x1x200x64xf32, #tpu.memory_space<vmem>> -> memref<200x64xf32, #tpu.memory_space<vmem>>
      %dma_start3A_274 = arith.constant 0 : i32
      %dma_start3A_275 = tpu.memref_slice %arg5[%add3A_267, %dma_start3A_274] : memref<128x200xi32, #tpu.memory_space<vmem>> -> memref<1x200xi32, #tpu.memory_space<vmem>>
      %dma_start3A_276 = tpu.memref_squeeze %dma_start3A_275 : memref<1x200xi32, #tpu.memory_space<vmem>> -> memref<200xi32, #tpu.memory_space<vmem>>
      %dma_start3A_277 = arith.constant 0 : i32
      %dma_start3A_278 = arith.constant 0 : i32
      %dma_start3A_279 = tpu.memref_slice %arg3[%dma_start3A_277, %dma_start3A_278] : memref<1000000x64xf32, #tpu.memory_space<hbm>> -> memref<1000000x64xf32, #tpu.memory_space<hbm>>
      tpu.enqueue_indirect_dma source(%dma_start3A_279 : memref<1000000x64xf32, #tpu.memory_space<hbm>>) target(%dma_start3A_273 : memref<200x64xf32, #tpu.memory_space<vmem>>) offsets(%dma_start3A_276 : memref<200xi32, #tpu.memory_space<vmem>>) semaphore(%arg7 : memref<!tpu.dma_semaphore, #tpu.memory_space<semaphore_mem>>)
      %mul3A_280 = arith.constant 4 : i32
      %mul3A_281 = arith.muli %add3A_228, %mul3A_280 : i32
      %add3A_282 = arith.constant 2 : i32
      %add3A_283 = arith.addi %mul3A_281, %add3A_282 : i32
      %dma_start3A_284 = arith.constant 0 : i32
      %dma_start3A_285 = arith.constant 2 : i32
      %dma_start3A_286 = arith.constant 0 : i32
      %dma_start3A_287 = arith.constant 0 : i32
      %dma_start3A_288 = tpu.memref_slice %arg6[%dma_start3A_284, %dma_start3A_285, %dma_start3A_286, %dma_start3A_287] : memref<2x4x200x64xf32, #tpu.memory_space<vmem>> -> memref<1x1x200x64xf32, #tpu.memory_space<vmem>>
      %dma_start3A_289 = tpu.memref_squeeze %dma_start3A_288 : memref<1x1x200x64xf32, #tpu.memory_space<vmem>> -> memref<200x64xf32, #tpu.memory_space<vmem>>
      %dma_start3A_290 = arith.constant 0 : i32
      %dma_start3A_291 = tpu.memref_slice %arg5[%add3A_283, %dma_start3A_290] : memref<128x200xi32, #tpu.memory_space<vmem>> -> memref<1x200xi32, #tpu.memory_space<vmem>>
      %dma_start3A_292 = tpu.memref_squeeze %dma_start3A_291 : memref<1x200xi32, #tpu.memory_space<vmem>> -> memref<200xi32, #tpu.memory_space<vmem>>
      %dma_start3A_293 = arith.constant 0 : i32
      %dma_start3A_294 = arith.constant 0 : i32
      %dma_start3A_295 = tpu.memref_slice %arg3[%dma_start3A_293, %dma_start3A_294] : memref<1000000x64xf32, #tpu.memory_space<hbm>> -> memref<1000000x64xf32, #tpu.memory_space<hbm>>
      tpu.enqueue_indirect_dma source(%dma_start3A_295 : memref<1000000x64xf32, #tpu.memory_space<hbm>>) target(%dma_start3A_289 : memref<200x64xf32, #tpu.memory_space<vmem>>) offsets(%dma_start3A_292 : memref<200xi32, #tpu.memory_space<vmem>>) semaphore(%arg7 : memref<!tpu.dma_semaphore, #tpu.memory_space<semaphore_mem>>)
      %mul3A_296 = arith.constant 4 : i32
      %mul3A_297 = arith.muli %add3A_228, %mul3A_296 : i32
      %add3A_298 = arith.constant 3 : i32
      %add3A_299 = arith.addi %mul3A_297, %add3A_298 : i32
      %dma_start3A_300 = arith.constant 0 : i32
      %dma_start3A_301 = arith.constant 3 : i32
      %dma_start3A_302 = arith.constant 0 : i32
      %dma_start3A_303 = arith.constant 0 : i32
      %dma_start3A_304 = tpu.memref_slice %arg6[%dma_start3A_300, %dma_start3A_301, %dma_start3A_302, %dma_start3A_303] : memref<2x4x200x64xf32, #tpu.memory_space<vmem>> -> memref<1x1x200x64xf32, #tpu.memory_space<vmem>>
      %dma_start3A_305 = tpu.memref_squeeze %dma_start3A_304 : memref<1x1x200x64xf32, #tpu.memory_space<vmem>> -> memref<200x64xf32, #tpu.memory_space<vmem>>
      %dma_start3A_306 = arith.constant 0 : i32
      %dma_start3A_307 = tpu.memref_slice %arg5[%add3A_299, %dma_start3A_306] : memref<128x200xi32, #tpu.memory_space<vmem>> -> memref<1x200xi32, #tpu.memory_space<vmem>>
      %dma_start3A_308 = tpu.memref_squeeze %dma_start3A_307 : memref<1x200xi32, #tpu.memory_space<vmem>> -> memref<200xi32, #tpu.memory_space<vmem>>
      %dma_start3A_309 = arith.constant 0 : i32
      %dma_start3A_310 = arith.constant 0 : i32
      %dma_start3A_311 = tpu.memref_slice %arg3[%dma_start3A_309, %dma_start3A_310] : memref<1000000x64xf32, #tpu.memory_space<hbm>> -> memref<1000000x64xf32, #tpu.memory_space<hbm>>
      tpu.enqueue_indirect_dma source(%dma_start3A_311 : memref<1000000x64xf32, #tpu.memory_space<hbm>>) target(%dma_start3A_305 : memref<200x64xf32, #tpu.memory_space<vmem>>) offsets(%dma_start3A_308 : memref<200xi32, #tpu.memory_space<vmem>>) semaphore(%arg7 : memref<!tpu.dma_semaphore, #tpu.memory_space<semaphore_mem>>)
      %dma_wait3A_312 = arith.constant 1 : i32
      %dma_wait3A_313 = arith.constant 0 : i32
      %dma_wait3A_314 = arith.constant 0 : i32
      %dma_wait3A_315 = arith.constant 0 : i32
      %dma_wait3A_316 = tpu.memref_slice %arg6[%dma_wait3A_312, %dma_wait3A_313, %dma_wait3A_314, %dma_wait3A_315] : memref<2x4x200x64xf32, #tpu.memory_space<vmem>> -> memref<1x4x200x64xf32, #tpu.memory_space<vmem>>
      %dma_wait3A_317 = tpu.memref_squeeze %dma_wait3A_316 : memref<1x4x200x64xf32, #tpu.memory_space<vmem>> -> memref<4x200x64xf32, #tpu.memory_space<vmem>>
      %dma_wait3A_318 = arith.constant 0 : i32
      %dma_wait3A_319 = arith.constant 0 : i32
      %dma_wait3A_320 = arith.constant 0 : i32
      %dma_wait3A_321 = tpu.memref_slice %arg4[%dma_wait3A_318, %dma_wait3A_319, %dma_wait3A_320] : memref<4096x200x64xf32, #tpu.memory_space<hbm>> -> memref<4x200x64xf32, #tpu.memory_space<hbm>>
      %dma_wait3A_322 = arith.constant 0 : i32
      %dma_wait3A_323 = arith.constant 0 : i32
      %dma_wait3A_324 = arith.constant 0 : i32
      %dma_wait3A_325 = tpu.memref_slice %arg6[%dma_wait3A_312, %dma_wait3A_322, %dma_wait3A_323, %dma_wait3A_324] : memref<2x4x200x64xf32, #tpu.memory_space<vmem>> -> memref<1x4x200x64xf32, #tpu.memory_space<vmem>>
      %dma_wait3A_326 = tpu.memref_squeeze %dma_wait3A_325 : memref<1x4x200x64xf32, #tpu.memory_space<vmem>> -> memref<4x200x64xf32, #tpu.memory_space<vmem>>
      %dma_wait3A_327 = arith.constant 0 : i32
      %dma_wait3A_328 = arith.constant 0 : i32
      %dma_wait3A_329 = arith.constant 0 : i32
      %dma_wait3A_330 = tpu.memref_slice %arg4[%dma_wait3A_327, %dma_wait3A_328, %dma_wait3A_329] : memref<4096x200x64xf32, #tpu.memory_space<hbm>> -> memref<4x200x64xf32, #tpu.memory_space<hbm>>
      tpu.wait_dma2 semaphore(%arg8 : memref<!tpu.dma_semaphore, #tpu.memory_space<semaphore_mem>>) src(%dma_wait3A_330 : memref<4x200x64xf32, #tpu.memory_space<hbm>>) dst(%dma_wait3A_326 : memref<4x200x64xf32, #tpu.memory_space<vmem>>)
      %sub3A = arith.constant 1 : i32
      %sub3A_331 = arith.subi %add3A_228, %sub3A : i32
      %mul3A_332 = arith.constant 4 : i32
      %mul3A_333 = arith.muli %sub3A_331, %mul3A_332 : i32
      %add3A_334 = arith.addi %mul3A_2, %mul3A_333 : i32
      %dma_start3A_335 = arith.constant 1 : i32
      %dma_start3A_336 = arith.constant 0 : i32
      %dma_start3A_337 = arith.constant 0 : i32
      %dma_start3A_338 = arith.constant 0 : i32
      %dma_start3A_339 = tpu.memref_slice %arg6[%dma_start3A_335, %dma_start3A_336, %dma_start3A_337, %dma_start3A_338] : memref<2x4x200x64xf32, #tpu.memory_space<vmem>> -> memref<1x4x200x64xf32, #tpu.memory_space<vmem>>
      %dma_start3A_340 = tpu.memref_squeeze %dma_start3A_339 : memref<1x4x200x64xf32, #tpu.memory_space<vmem>> -> memref<4x200x64xf32, #tpu.memory_space<vmem>>
      %dma_start3A_341 = arith.constant 0 : i32
      %dma_start3A_342 = arith.constant 0 : i32
      %dma_start3A_343 = tpu.memref_slice %arg4[%add3A_334, %dma_start3A_341, %dma_start3A_342] : memref<4096x200x64xf32, #tpu.memory_space<hbm>> -> memref<4x200x64xf32, #tpu.memory_space<hbm>>
      %dma_start3A_344 = arith.constant 0 : i32
      %dma_start3A_345 = arith.constant 0 : i32
      %dma_start3A_346 = tpu.memref_slice %arg4[%add3A_334, %dma_start3A_344, %dma_start3A_345] : memref<4096x200x64xf32, #tpu.memory_space<hbm>> -> memref<4x200x64xf32, #tpu.memory_space<hbm>>
      %dma_start3A_347 = arith.constant 0 : i32
      %dma_start3A_348 = arith.constant 0 : i32
      %dma_start3A_349 = arith.constant 0 : i32
      %dma_start3A_350 = tpu.memref_slice %arg6[%dma_start3A_335, %dma_start3A_347, %dma_start3A_348, %dma_start3A_349] : memref<2x4x200x64xf32, #tpu.memory_space<vmem>> -> memref<1x4x200x64xf32, #tpu.memory_space<vmem>>
      %dma_start3A_351 = tpu.memref_squeeze %dma_start3A_350 : memref<1x4x200x64xf32, #tpu.memory_space<vmem>> -> memref<4x200x64xf32, #tpu.memory_space<vmem>>
      tpu.enqueue_dma source(%dma_start3A_351 : memref<4x200x64xf32, #tpu.memory_space<vmem>>) target(%dma_start3A_346 : memref<4x200x64xf32, #tpu.memory_space<hbm>>) target_semaphore(%arg10 : memref<!tpu.dma_semaphore, #tpu.memory_space<semaphore_mem>>)
      %mul3A_352 = arith.constant 2 : i32
      %mul3A_353 = arith.muli %mul3A_352, %scan3A_224 : i32
      %add3A_354 = arith.constant 1 : i32
      %add3A_355 = arith.addi %mul3A_353, %add3A_354 : i32
      %dma_wait3A_356 = arith.constant 1 : i32
      %dma_wait3A_357 = arith.constant 0 : i32
      %dma_wait3A_358 = arith.constant 0 : i32
      %dma_wait3A_359 = arith.constant 0 : i32
      %dma_wait3A_360 = tpu.memref_slice %arg6[%dma_wait3A_356, %dma_wait3A_357, %dma_wait3A_358, %dma_wait3A_359] : memref<2x4x200x64xf32, #tpu.memory_space<vmem>> -> memref<1x4x200x64xf32, #tpu.memory_space<vmem>>
      %dma_wait3A_361 = tpu.memref_squeeze %dma_wait3A_360 : memref<1x4x200x64xf32, #tpu.memory_space<vmem>> -> memref<4x200x64xf32, #tpu.memory_space<vmem>>
      %dma_wait3A_362 = arith.constant 0 : i32
      %dma_wait3A_363 = arith.constant 0 : i32
      %dma_wait3A_364 = arith.constant 0 : i32
      %dma_wait3A_365 = tpu.memref_slice %arg4[%dma_wait3A_362, %dma_wait3A_363, %dma_wait3A_364] : memref<4096x200x64xf32, #tpu.memory_space<hbm>> -> memref<4x200x64xf32, #tpu.memory_space<hbm>>
      %dma_wait3A_366 = arith.constant 0 : i32
      %dma_wait3A_367 = arith.constant 0 : i32
      %dma_wait3A_368 = arith.constant 0 : i32
      %dma_wait3A_369 = tpu.memref_slice %arg4[%dma_wait3A_366, %dma_wait3A_367, %dma_wait3A_368] : memref<4096x200x64xf32, #tpu.memory_space<hbm>> -> memref<4x200x64xf32, #tpu.memory_space<hbm>>
      %dma_wait3A_370 = arith.constant 0 : i32
      %dma_wait3A_371 = arith.constant 0 : i32
      %dma_wait3A_372 = arith.constant 0 : i32
      %dma_wait3A_373 = tpu.memref_slice %arg6[%dma_wait3A_356, %dma_wait3A_370, %dma_wait3A_371, %dma_wait3A_372] : memref<2x4x200x64xf32, #tpu.memory_space<vmem>> -> memref<1x4x200x64xf32, #tpu.memory_space<vmem>>
      %dma_wait3A_374 = tpu.memref_squeeze %dma_wait3A_373 : memref<1x4x200x64xf32, #tpu.memory_space<vmem>> -> memref<4x200x64xf32, #tpu.memory_space<vmem>>
      tpu.wait_dma2 semaphore(%arg10 : memref<!tpu.dma_semaphore, #tpu.memory_space<semaphore_mem>>) src(%dma_wait3A_374 : memref<4x200x64xf32, #tpu.memory_space<vmem>>) dst(%dma_wait3A_369 : memref<4x200x64xf32, #tpu.memory_space<hbm>>)
      %mul3A_375 = arith.constant 4 : i32
      %mul3A_376 = arith.muli %add3A_355, %mul3A_375 : i32
      %add3A_377 = arith.constant 0 : i32
      %add3A_378 = arith.addi %mul3A_376, %add3A_377 : i32
      %dma_start3A_379 = arith.constant 1 : i32
      %dma_start3A_380 = arith.constant 0 : i32
      %dma_start3A_381 = arith.constant 0 : i32
      %dma_start3A_382 = arith.constant 0 : i32
      %dma_start3A_383 = tpu.memref_slice %arg6[%dma_start3A_379, %dma_start3A_380, %dma_start3A_381, %dma_start3A_382] : memref<2x4x200x64xf32, #tpu.memory_space<vmem>> -> memref<1x1x200x64xf32, #tpu.memory_space<vmem>>
      %dma_start3A_384 = tpu.memref_squeeze %dma_start3A_383 : memref<1x1x200x64xf32, #tpu.memory_space<vmem>> -> memref<200x64xf32, #tpu.memory_space<vmem>>
      %dma_start3A_385 = arith.constant 0 : i32
      %dma_start3A_386 = tpu.memref_slice %arg5[%add3A_378, %dma_start3A_385] : memref<128x200xi32, #tpu.memory_space<vmem>> -> memref<1x200xi32, #tpu.memory_space<vmem>>
      %dma_start3A_387 = tpu.memref_squeeze %dma_start3A_386 : memref<1x200xi32, #tpu.memory_space<vmem>> -> memref<200xi32, #tpu.memory_space<vmem>>
      %dma_start3A_388 = arith.constant 0 : i32
      %dma_start3A_389 = arith.constant 0 : i32
      %dma_start3A_390 = tpu.memref_slice %arg3[%dma_start3A_388, %dma_start3A_389] : memref<1000000x64xf32, #tpu.memory_space<hbm>> -> memref<1000000x64xf32, #tpu.memory_space<hbm>>
      tpu.enqueue_indirect_dma source(%dma_start3A_390 : memref<1000000x64xf32, #tpu.memory_space<hbm>>) target(%dma_start3A_384 : memref<200x64xf32, #tpu.memory_space<vmem>>) offsets(%dma_start3A_387 : memref<200xi32, #tpu.memory_space<vmem>>) semaphore(%arg8 : memref<!tpu.dma_semaphore, #tpu.memory_space<semaphore_mem>>)
      %mul3A_391 = arith.constant 4 : i32
      %mul3A_392 = arith.muli %add3A_355, %mul3A_391 : i32
      %add3A_393 = arith.constant 1 : i32
      %add3A_394 = arith.addi %mul3A_392, %add3A_393 : i32
      %dma_start3A_395 = arith.constant 1 : i32
      %dma_start3A_396 = arith.constant 1 : i32
      %dma_start3A_397 = arith.constant 0 : i32
      %dma_start3A_398 = arith.constant 0 : i32
      %dma_start3A_399 = tpu.memref_slice %arg6[%dma_start3A_395, %dma_start3A_396, %dma_start3A_397, %dma_start3A_398] : memref<2x4x200x64xf32, #tpu.memory_space<vmem>> -> memref<1x1x200x64xf32, #tpu.memory_space<vmem>>
      %dma_start3A_400 = tpu.memref_squeeze %dma_start3A_399 : memref<1x1x200x64xf32, #tpu.memory_space<vmem>> -> memref<200x64xf32, #tpu.memory_space<vmem>>
      %dma_start3A_401 = arith.constant 0 : i32
      %dma_start3A_402 = tpu.memref_slice %arg5[%add3A_394, %dma_start3A_401] : memref<128x200xi32, #tpu.memory_space<vmem>> -> memref<1x200xi32, #tpu.memory_space<vmem>>
      %dma_start3A_403 = tpu.memref_squeeze %dma_start3A_402 : memref<1x200xi32, #tpu.memory_space<vmem>> -> memref<200xi32, #tpu.memory_space<vmem>>
      %dma_start3A_404 = arith.constant 0 : i32
      %dma_start3A_405 = arith.constant 0 : i32
      %dma_start3A_406 = tpu.memref_slice %arg3[%dma_start3A_404, %dma_start3A_405] : memref<1000000x64xf32, #tpu.memory_space<hbm>> -> memref<1000000x64xf32, #tpu.memory_space<hbm>>
      tpu.enqueue_indirect_dma source(%dma_start3A_406 : memref<1000000x64xf32, #tpu.memory_space<hbm>>) target(%dma_start3A_400 : memref<200x64xf32, #tpu.memory_space<vmem>>) offsets(%dma_start3A_403 : memref<200xi32, #tpu.memory_space<vmem>>) semaphore(%arg8 : memref<!tpu.dma_semaphore, #tpu.memory_space<semaphore_mem>>)
      %mul3A_407 = arith.constant 4 : i32
      %mul3A_408 = arith.muli %add3A_355, %mul3A_407 : i32
      %add3A_409 = arith.constant 2 : i32
      %add3A_410 = arith.addi %mul3A_408, %add3A_409 : i32
      %dma_start3A_411 = arith.constant 1 : i32
      %dma_start3A_412 = arith.constant 2 : i32
      %dma_start3A_413 = arith.constant 0 : i32
      %dma_start3A_414 = arith.constant 0 : i32
      %dma_start3A_415 = tpu.memref_slice %arg6[%dma_start3A_411, %dma_start3A_412, %dma_start3A_413, %dma_start3A_414] : memref<2x4x200x64xf32, #tpu.memory_space<vmem>> -> memref<1x1x200x64xf32, #tpu.memory_space<vmem>>
      %dma_start3A_416 = tpu.memref_squeeze %dma_start3A_415 : memref<1x1x200x64xf32, #tpu.memory_space<vmem>> -> memref<200x64xf32, #tpu.memory_space<vmem>>
      %dma_start3A_417 = arith.constant 0 : i32
      %dma_start3A_418 = tpu.memref_slice %arg5[%add3A_410, %dma_start3A_417] : memref<128x200xi32, #tpu.memory_space<vmem>> -> memref<1x200xi32, #tpu.memory_space<vmem>>
      %dma_start3A_419 = tpu.memref_squeeze %dma_start3A_418 : memref<1x200xi32, #tpu.memory_space<vmem>> -> memref<200xi32, #tpu.memory_space<vmem>>
      %dma_start3A_420 = arith.constant 0 : i32
      %dma_start3A_421 = arith.constant 0 : i32
      %dma_start3A_422 = tpu.memref_slice %arg3[%dma_start3A_420, %dma_start3A_421] : memref<1000000x64xf32, #tpu.memory_space<hbm>> -> memref<1000000x64xf32, #tpu.memory_space<hbm>>
      tpu.enqueue_indirect_dma source(%dma_start3A_422 : memref<1000000x64xf32, #tpu.memory_space<hbm>>) target(%dma_start3A_416 : memref<200x64xf32, #tpu.memory_space<vmem>>) offsets(%dma_start3A_419 : memref<200xi32, #tpu.memory_space<vmem>>) semaphore(%arg8 : memref<!tpu.dma_semaphore, #tpu.memory_space<semaphore_mem>>)
      %mul3A_423 = arith.constant 4 : i32
      %mul3A_424 = arith.muli %add3A_355, %mul3A_423 : i32
      %add3A_425 = arith.constant 3 : i32
      %add3A_426 = arith.addi %mul3A_424, %add3A_425 : i32
      %dma_start3A_427 = arith.constant 1 : i32
      %dma_start3A_428 = arith.constant 3 : i32
      %dma_start3A_429 = arith.constant 0 : i32
      %dma_start3A_430 = arith.constant 0 : i32
      %dma_start3A_431 = tpu.memref_slice %arg6[%dma_start3A_427, %dma_start3A_428, %dma_start3A_429, %dma_start3A_430] : memref<2x4x200x64xf32, #tpu.memory_space<vmem>> -> memref<1x1x200x64xf32, #tpu.memory_space<vmem>>
      %dma_start3A_432 = tpu.memref_squeeze %dma_start3A_431 : memref<1x1x200x64xf32, #tpu.memory_space<vmem>> -> memref<200x64xf32, #tpu.memory_space<vmem>>
      %dma_start3A_433 = arith.constant 0 : i32
      %dma_start3A_434 = tpu.memref_slice %arg5[%add3A_426, %dma_start3A_433] : memref<128x200xi32, #tpu.memory_space<vmem>> -> memref<1x200xi32, #tpu.memory_space<vmem>>
      %dma_start3A_435 = tpu.memref_squeeze %dma_start3A_434 : memref<1x200xi32, #tpu.memory_space<vmem>> -> memref<200xi32, #tpu.memory_space<vmem>>
      %dma_start3A_436 = arith.constant 0 : i32
      %dma_start3A_437 = arith.constant 0 : i32
      %dma_start3A_438 = tpu.memref_slice %arg3[%dma_start3A_436, %dma_start3A_437] : memref<1000000x64xf32, #tpu.memory_space<hbm>> -> memref<1000000x64xf32, #tpu.memory_space<hbm>>
      tpu.enqueue_indirect_dma source(%dma_start3A_438 : memref<1000000x64xf32, #tpu.memory_space<hbm>>) target(%dma_start3A_432 : memref<200x64xf32, #tpu.memory_space<vmem>>) offsets(%dma_start3A_435 : memref<200xi32, #tpu.memory_space<vmem>>) semaphore(%arg8 : memref<!tpu.dma_semaphore, #tpu.memory_space<semaphore_mem>>)
      %dma_wait3A_439 = arith.constant 0 : i32
      %dma_wait3A_440 = arith.constant 0 : i32
      %dma_wait3A_441 = arith.constant 0 : i32
      %dma_wait3A_442 = arith.constant 0 : i32
      %dma_wait3A_443 = tpu.memref_slice %arg6[%dma_wait3A_439, %dma_wait3A_440, %dma_wait3A_441, %dma_wait3A_442] : memref<2x4x200x64xf32, #tpu.memory_space<vmem>> -> memref<1x4x200x64xf32, #tpu.memory_space<vmem>>
      %dma_wait3A_444 = tpu.memref_squeeze %dma_wait3A_443 : memref<1x4x200x64xf32, #tpu.memory_space<vmem>> -> memref<4x200x64xf32, #tpu.memory_space<vmem>>
      %dma_wait3A_445 = arith.constant 0 : i32
      %dma_wait3A_446 = arith.constant 0 : i32
      %dma_wait3A_447 = arith.constant 0 : i32
      %dma_wait3A_448 = tpu.memref_slice %arg4[%dma_wait3A_445, %dma_wait3A_446, %dma_wait3A_447] : memref<4096x200x64xf32, #tpu.memory_space<hbm>> -> memref<4x200x64xf32, #tpu.memory_space<hbm>>
      %dma_wait3A_449 = arith.constant 0 : i32
      %dma_wait3A_450 = arith.constant 0 : i32
      %dma_wait3A_451 = arith.constant 0 : i32
      %dma_wait3A_452 = tpu.memref_slice %arg6[%dma_wait3A_439, %dma_wait3A_449, %dma_wait3A_450, %dma_wait3A_451] : memref<2x4x200x64xf32, #tpu.memory_space<vmem>> -> memref<1x4x200x64xf32, #tpu.memory_space<vmem>>
      %dma_wait3A_453 = tpu.memref_squeeze %dma_wait3A_452 : memref<1x4x200x64xf32, #tpu.memory_space<vmem>> -> memref<4x200x64xf32, #tpu.memory_space<vmem>>
      %dma_wait3A_454 = arith.constant 0 : i32
      %dma_wait3A_455 = arith.constant 0 : i32
      %dma_wait3A_456 = arith.constant 0 : i32
      %dma_wait3A_457 = tpu.memref_slice %arg4[%dma_wait3A_454, %dma_wait3A_455, %dma_wait3A_456] : memref<4096x200x64xf32, #tpu.memory_space<hbm>> -> memref<4x200x64xf32, #tpu.memory_space<hbm>>
      tpu.wait_dma2 semaphore(%arg7 : memref<!tpu.dma_semaphore, #tpu.memory_space<semaphore_mem>>) src(%dma_wait3A_457 : memref<4x200x64xf32, #tpu.memory_space<hbm>>) dst(%dma_wait3A_453 : memref<4x200x64xf32, #tpu.memory_space<vmem>>)
      %sub3A_458 = arith.constant 1 : i32
      %sub3A_459 = arith.subi %add3A_355, %sub3A_458 : i32
      %mul3A_460 = arith.constant 4 : i32
      %mul3A_461 = arith.muli %sub3A_459, %mul3A_460 : i32
      %add3A_462 = arith.addi %mul3A_2, %mul3A_461 : i32
      %dma_start3A_463 = arith.constant 0 : i32
      %dma_start3A_464 = arith.constant 0 : i32
      %dma_start3A_465 = arith.constant 0 : i32
      %dma_start3A_466 = arith.constant 0 : i32
      %dma_start3A_467 = tpu.memref_slice %arg6[%dma_start3A_463, %dma_start3A_464, %dma_start3A_465, %dma_start3A_466] : memref<2x4x200x64xf32, #tpu.memory_space<vmem>> -> memref<1x4x200x64xf32, #tpu.memory_space<vmem>>
      %dma_start3A_468 = tpu.memref_squeeze %dma_start3A_467 : memref<1x4x200x64xf32, #tpu.memory_space<vmem>> -> memref<4x200x64xf32, #tpu.memory_space<vmem>>
      %dma_start3A_469 = arith.constant 0 : i32
      %dma_start3A_470 = arith.constant 0 : i32
      %dma_start3A_471 = tpu.memref_slice %arg4[%add3A_462, %dma_start3A_469, %dma_start3A_470] : memref<4096x200x64xf32, #tpu.memory_space<hbm>> -> memref<4x200x64xf32, #tpu.memory_space<hbm>>
      %dma_start3A_472 = arith.constant 0 : i32
      %dma_start3A_473 = arith.constant 0 : i32
      %dma_start3A_474 = tpu.memref_slice %arg4[%add3A_462, %dma_start3A_472, %dma_start3A_473] : memref<4096x200x64xf32, #tpu.memory_space<hbm>> -> memref<4x200x64xf32, #tpu.memory_space<hbm>>
      %dma_start3A_475 = arith.constant 0 : i32
      %dma_start3A_476 = arith.constant 0 : i32
      %dma_start3A_477 = arith.constant 0 : i32
      %dma_start3A_478 = tpu.memref_slice %arg6[%dma_start3A_463, %dma_start3A_475, %dma_start3A_476, %dma_start3A_477] : memref<2x4x200x64xf32, #tpu.memory_space<vmem>> -> memref<1x4x200x64xf32, #tpu.memory_space<vmem>>
      %dma_start3A_479 = tpu.memref_squeeze %dma_start3A_478 : memref<1x4x200x64xf32, #tpu.memory_space<vmem>> -> memref<4x200x64xf32, #tpu.memory_space<vmem>>
      tpu.enqueue_dma source(%dma_start3A_479 : memref<4x200x64xf32, #tpu.memory_space<vmem>>) target(%dma_start3A_474 : memref<4x200x64xf32, #tpu.memory_space<hbm>>) target_semaphore(%arg9 : memref<!tpu.dma_semaphore, #tpu.memory_space<semaphore_mem>>)
    }
    %scan3A_147 = arith.constant 15 : i32
    %dma_wait3A_148 = arith.constant 1 : i32
    %dma_wait3A_149 = arith.constant 0 : i32
    %dma_wait3A_150 = arith.constant 0 : i32
    %dma_wait3A_151 = arith.constant 0 : i32
    %dma_wait3A_152 = tpu.memref_slice %arg6[%dma_wait3A_148, %dma_wait3A_149, %dma_wait3A_150, %dma_wait3A_151] : memref<2x4x200x64xf32, #tpu.memory_space<vmem>> -> memref<1x4x200x64xf32, #tpu.memory_space<vmem>>
    %dma_wait3A_153 = tpu.memref_squeeze %dma_wait3A_152 : memref<1x4x200x64xf32, #tpu.memory_space<vmem>> -> memref<4x200x64xf32, #tpu.memory_space<vmem>>
    %dma_wait3A_154 = arith.constant 0 : i32
    %dma_wait3A_155 = arith.constant 0 : i32
    %dma_wait3A_156 = arith.constant 0 : i32
    %dma_wait3A_157 = tpu.memref_slice %arg4[%dma_wait3A_154, %dma_wait3A_155, %dma_wait3A_156] : memref<4096x200x64xf32, #tpu.memory_space<hbm>> -> memref<4x200x64xf32, #tpu.memory_space<hbm>>
    %dma_wait3A_158 = arith.constant 0 : i32
    %dma_wait3A_159 = arith.constant 0 : i32
    %dma_wait3A_160 = arith.constant 0 : i32
    %dma_wait3A_161 = tpu.memref_slice %arg6[%dma_wait3A_148, %dma_wait3A_158, %dma_wait3A_159, %dma_wait3A_160] : memref<2x4x200x64xf32, #tpu.memory_space<vmem>> -> memref<1x4x200x64xf32, #tpu.memory_space<vmem>>
    %dma_wait3A_162 = tpu.memref_squeeze %dma_wait3A_161 : memref<1x4x200x64xf32, #tpu.memory_space<vmem>> -> memref<4x200x64xf32, #tpu.memory_space<vmem>>
    %dma_wait3A_163 = arith.constant 0 : i32
    %dma_wait3A_164 = arith.constant 0 : i32
    %dma_wait3A_165 = arith.constant 0 : i32
    %dma_wait3A_166 = tpu.memref_slice %arg4[%dma_wait3A_163, %dma_wait3A_164, %dma_wait3A_165] : memref<4096x200x64xf32, #tpu.memory_space<hbm>> -> memref<4x200x64xf32, #tpu.memory_space<hbm>>
    tpu.wait_dma2 semaphore(%arg8 : memref<!tpu.dma_semaphore, #tpu.memory_space<semaphore_mem>>) src(%dma_wait3A_166 : memref<4x200x64xf32, #tpu.memory_space<hbm>>) dst(%dma_wait3A_162 : memref<4x200x64xf32, #tpu.memory_space<vmem>>)
    %add3A_167 = arith.constant 124 : i32
    %add3A_168 = arith.addi %mul3A_2, %add3A_167 : i32
    %dma_start3A_169 = arith.constant 1 : i32
    %dma_start3A_170 = arith.constant 0 : i32
    %dma_start3A_171 = arith.constant 0 : i32
    %dma_start3A_172 = arith.constant 0 : i32
    %dma_start3A_173 = tpu.memref_slice %arg6[%dma_start3A_169, %dma_start3A_170, %dma_start3A_171, %dma_start3A_172] : memref<2x4x200x64xf32, #tpu.memory_space<vmem>> -> memref<1x4x200x64xf32, #tpu.memory_space<vmem>>
    %dma_start3A_174 = tpu.memref_squeeze %dma_start3A_173 : memref<1x4x200x64xf32, #tpu.memory_space<vmem>> -> memref<4x200x64xf32, #tpu.memory_space<vmem>>
    %dma_start3A_175 = arith.constant 0 : i32
    %dma_start3A_176 = arith.constant 0 : i32
    %dma_start3A_177 = tpu.memref_slice %arg4[%add3A_168, %dma_start3A_175, %dma_start3A_176] : memref<4096x200x64xf32, #tpu.memory_space<hbm>> -> memref<4x200x64xf32, #tpu.memory_space<hbm>>
    %dma_start3A_178 = arith.constant 0 : i32
    %dma_start3A_179 = arith.constant 0 : i32
    %dma_start3A_180 = tpu.memref_slice %arg4[%add3A_168, %dma_start3A_178, %dma_start3A_179] : memref<4096x200x64xf32, #tpu.memory_space<hbm>> -> memref<4x200x64xf32, #tpu.memory_space<hbm>>
    %dma_start3A_181 = arith.constant 0 : i32
    %dma_start3A_182 = arith.constant 0 : i32
    %dma_start3A_183 = arith.constant 0 : i32
    %dma_start3A_184 = tpu.memref_slice %arg6[%dma_start3A_169, %dma_start3A_181, %dma_start3A_182, %dma_start3A_183] : memref<2x4x200x64xf32, #tpu.memory_space<vmem>> -> memref<1x4x200x64xf32, #tpu.memory_space<vmem>>
    %dma_start3A_185 = tpu.memref_squeeze %dma_start3A_184 : memref<1x4x200x64xf32, #tpu.memory_space<vmem>> -> memref<4x200x64xf32, #tpu.memory_space<vmem>>
    tpu.enqueue_dma source(%dma_start3A_185 : memref<4x200x64xf32, #tpu.memory_space<vmem>>) target(%dma_start3A_180 : memref<4x200x64xf32, #tpu.memory_space<hbm>>) target_semaphore(%arg10 : memref<!tpu.dma_semaphore, #tpu.memory_space<semaphore_mem>>)
    %dma_wait3A_186 = arith.constant 0 : i32
    %dma_wait3A_187 = arith.constant 0 : i32
    %dma_wait3A_188 = arith.constant 0 : i32
    %dma_wait3A_189 = arith.constant 0 : i32
    %dma_wait3A_190 = tpu.memref_slice %arg6[%dma_wait3A_186, %dma_wait3A_187, %dma_wait3A_188, %dma_wait3A_189] : memref<2x4x200x64xf32, #tpu.memory_space<vmem>> -> memref<1x4x200x64xf32, #tpu.memory_space<vmem>>
    %dma_wait3A_191 = tpu.memref_squeeze %dma_wait3A_190 : memref<1x4x200x64xf32, #tpu.memory_space<vmem>> -> memref<4x200x64xf32, #tpu.memory_space<vmem>>
    %dma_wait3A_192 = arith.constant 0 : i32
    %dma_wait3A_193 = arith.constant 0 : i32
    %dma_wait3A_194 = arith.constant 0 : i32
    %dma_wait3A_195 = tpu.memref_slice %arg4[%dma_wait3A_192, %dma_wait3A_193, %dma_wait3A_194] : memref<4096x200x64xf32, #tpu.memory_space<hbm>> -> memref<4x200x64xf32, #tpu.memory_space<hbm>>
    %dma_wait3A_196 = arith.constant 0 : i32
    %dma_wait3A_197 = arith.constant 0 : i32
    %dma_wait3A_198 = arith.constant 0 : i32
    %dma_wait3A_199 = tpu.memref_slice %arg4[%dma_wait3A_196, %dma_wait3A_197, %dma_wait3A_198] : memref<4096x200x64xf32, #tpu.memory_space<hbm>> -> memref<4x200x64xf32, #tpu.memory_space<hbm>>
    %dma_wait3A_200 = arith.constant 0 : i32
    %dma_wait3A_201 = arith.constant 0 : i32
    %dma_wait3A_202 = arith.constant 0 : i32
    %dma_wait3A_203 = tpu.memref_slice %arg6[%dma_wait3A_186, %dma_wait3A_200, %dma_wait3A_201, %dma_wait3A_202] : memref<2x4x200x64xf32, #tpu.memory_space<vmem>> -> memref<1x4x200x64xf32, #tpu.memory_space<vmem>>
    %dma_wait3A_204 = tpu.memref_squeeze %dma_wait3A_203 : memref<1x4x200x64xf32, #tpu.memory_space<vmem>> -> memref<4x200x64xf32, #tpu.memory_space<vmem>>
    tpu.wait_dma2 semaphore(%arg9 : memref<!tpu.dma_semaphore, #tpu.memory_space<semaphore_mem>>) src(%dma_wait3A_204 : memref<4x200x64xf32, #tpu.memory_space<vmem>>) dst(%dma_wait3A_199 : memref<4x200x64xf32, #tpu.memory_space<hbm>>)
    %dma_wait3A_205 = arith.constant 1 : i32
    %dma_wait3A_206 = arith.constant 0 : i32
    %dma_wait3A_207 = arith.constant 0 : i32
    %dma_wait3A_208 = arith.constant 0 : i32
    %dma_wait3A_209 = tpu.memref_slice %arg6[%dma_wait3A_205, %dma_wait3A_206, %dma_wait3A_207, %dma_wait3A_208] : memref<2x4x200x64xf32, #tpu.memory_space<vmem>> -> memref<1x4x200x64xf32, #tpu.memory_space<vmem>>
    %dma_wait3A_210 = tpu.memref_squeeze %dma_wait3A_209 : memref<1x4x200x64xf32, #tpu.memory_space<vmem>> -> memref<4x200x64xf32, #tpu.memory_space<vmem>>
    %dma_wait3A_211 = arith.constant 0 : i32
    %dma_wait3A_212 = arith.constant 0 : i32
    %dma_wait3A_213 = arith.constant 0 : i32
    %dma_wait3A_214 = tpu.memref_slice %arg4[%dma_wait3A_211, %dma_wait3A_212, %dma_wait3A_213] : memref<4096x200x64xf32, #tpu.memory_space<hbm>> -> memref<4x200x64xf32, #tpu.memory_space<hbm>>
    %dma_wait3A_215 = arith.constant 0 : i32
    %dma_wait3A_216 = arith.constant 0 : i32
    %dma_wait3A_217 = arith.constant 0 : i32
    %dma_wait3A_218 = tpu.memref_slice %arg4[%dma_wait3A_215, %dma_wait3A_216, %dma_wait3A_217] : memref<4096x200x64xf32, #tpu.memory_space<hbm>> -> memref<4x200x64xf32, #tpu.memory_space<hbm>>
    %dma_wait3A_219 = arith.constant 0 : i32
    %dma_wait3A_220 = arith.constant 0 : i32
    %dma_wait3A_221 = arith.constant 0 : i32
    %dma_wait3A_222 = tpu.memref_slice %arg6[%dma_wait3A_205, %dma_wait3A_219, %dma_wait3A_220, %dma_wait3A_221] : memref<2x4x200x64xf32, #tpu.memory_space<vmem>> -> memref<1x4x200x64xf32, #tpu.memory_space<vmem>>
    %dma_wait3A_223 = tpu.memref_squeeze %dma_wait3A_222 : memref<1x4x200x64xf32, #tpu.memory_space<vmem>> -> memref<4x200x64xf32, #tpu.memory_space<vmem>>
    tpu.wait_dma2 semaphore(%arg10 : memref<!tpu.dma_semaphore, #tpu.memory_space<semaphore_mem>>) src(%dma_wait3A_223 : memref<4x200x64xf32, #tpu.memory_space<vmem>>) dst(%dma_wait3A_218 : memref<4x200x64xf32, #tpu.memory_space<hbm>>)
    return
  }
}

</mosaic_0001>

<sc_bundles>
// kernel: kernel.3.cloned.1.call-start
scs
__scs_entry_jumppad:
0x0: {  	(pc) =	sbr.rel $0x88, $3  }
0x1: {  	(tag) =	ssettag $0x0;
	lr =	simm.s32 $0x1  }
0x2: {  	[smem:$0x3F9F] =	sst lr;
	_ =	strace $0xD0000000  }
0x3: {  	_ = 	snop  }
0x4: {  	_ = 	snop  }
0x5: {  	_ = 	snop  }
0x6: {  	_ = 	snop  }
0x7: {  	_ = 	snop  }
__scs_overlays_trampoline_lowered:
0x8: {  	[smem:$0x3FAE] =	sst s0  }
0x9: {  	[smem:$0x3FAF] =	sst s1  }
0xa: {  	[smem:$0x3FB0] =	sst s2  }
0xb: {  	[smem:$0x3FB1] =	sst s3  }
0xc: {  	[smem:$0x3FB2] =	sst s4  }
0xd: {  	[smem:$0x3FB3] =	sst s5  }
0xe: {  	[smem:$0x3FB4] =	sst s6  }
0xf: {  	[smem:$0x3FB5] =	sst s7  }
0x10: {  	[smem:$0x3FB6] =	sst s8  }
0x11: {  	[smem:$0x3FB7] =	sst s9;
	s0 =	simm.s32 @!p0 $0x0  }
0x12: {  	s1 =	sld [smem:$0x3F9D];
	s0 =	simm.s32 @p0 $0x1  }
0x13: {  	[smem:$0x3FB8] =	sst s0;
	s0 =	simm.s32 @!p1 $0x0  }
0x14: {  	s2 =	sld [smem:$0x3F9C];
	s0 =	simm.s32 @p1 $0x1  }
0x15: {  	[smem:$0x3FB9] =	sst s0;
	s0 =	simm.s32 @!p2 $0x0  }
0x16: {  	s3 =	sld [smem:$0x3FDB];
	s0 =	simm.s32 @p2 $0x1  }
0x17: {  	s4 =	simm.s32 $0x1BF5;
	[smem:$0x3FBB] =	sst s0  }
0x18: {  	s0 =	sld [smem:$0x3F9E];
	_ =	swait.ge [sflag:s4], $0x0  }
0x19: {  	s7 =	sld [smem:$0x3F9F]  }
0x1a: {  	s8 =	sadd.s32 $0xFFFFE003, lr  }
0x1b: {  	s9 =	sadd.s32 $0xFFFFFEF7, lr;
	s5 =	simm.s32 $0xFFFFFFFF;
	p2 =	slt.u32 s8, $0xFFFFF086  }
0x1c: {  	p1 =	slt.u32 s9, $0xF7A;
	s5 =	simm.s32 @!p2 $0x0  }
0x1d: {  	s5 =	simm.s32 @p1 $0x1;
	p0 =	seq.s32 s7, s2  }
0x1e: {  	s7 =	smul.u32 @!p0 $0xF7A, s2;
	p2 =	seq.s32 @!p0 s5, $0x0  }
0x1f: {  	s9 =	smul.u32 $0xF7A, s1;
	s8 =	simm.s32 @!p0 $0x1BF5;
	p2 =	por !p2, p0  }
0x20: {  	[sflag:s8] =	ssyncset.s32 @!p0 $0xFFFFF086;
	s6 =	sadd.s32 @!p0 s3, s7;
	s7 =	simm.s32 @!p0 $0x108  }
0x21: {  	s3 =	sadd.s32 s3, s9;
	s6 =	sadd.s32 @!p0 $0x88, s6;
	s7 =	simm.s32 @p2 $0x1082  }
0x22: {  	[simem:s7], [sflag:s8] =	dma.local @!p0 [hbm:s6], $0xF7A  }
0x23: {  	s9 =	sor.u32 $0xD0000000, s2;
	s6 =	simm.s32 $0x108;
	_ =	swait.ge @!p0 [sflag:s8], $0x0  }
0x24: {  	s3 =	sadd.s32 $0x88, s3;
	s6 =	simm.s32 @!p1 $0x1082;
	[sflag:s4] =	ssyncset.s32 $0xFFFFF086  }
0x25: {  	[simem:s6], [sflag:s4] =	dma.local [hbm:s3], $0xF7A  }
0x26: {  	[smem:$0x3F9F] =	sst s1;
	(tag) =	ssettag s2;
	_ =	strace s9  }
0x27: {  	s1 =	sld [smem:$0x3FAF]  }
0x28: {  	s2 =	sld [smem:$0x3FB0]  }
0x29: {  	s4 =	sld [smem:$0x3FB2]  }
0x2a: {  	p0 =	seq.s32 s5, $0x0;
	s5 =	sld [smem:$0x3FB3]  }
0x2b: {  	s6 =	sld [smem:$0x3FB4]  }
0x2c: {  	s7 =	sld [smem:$0x3FB5]  }
0x2d: {  	s3 =	simm.s32 $0x108;
	s8 =	sld [smem:$0x3FB6]  }
0x2e: {  	s3 =	simm.s32 @!p0 $0x1082;
	s9 =	sld [smem:$0x3FB7]  }
0x2f: {  	lr =	sadd.s32 s0, s3;
	s0 =	sld [smem:$0x3FAE]  }
0x30: {  	s3 =	sld [smem:$0x3FB1]  }
0x31: {  	[smem:$0x3FBA] =	sst s10  }
0x32: {  	s10 =	sld [smem:$0x3FB8];
	_ =	sdelay $0x3  }
0x33: {  	p0 =	seq.s32 s10, $0x1;
	s10 =	sld [smem:$0x3FBA];
	_ =	sdelay $0x3  }
0x34: {  	[smem:$0x3FBA] =	sst s10  }
0x35: {  	s10 =	sld [smem:$0x3FB9];
	_ =	sdelay $0x3  }
0x36: {  	p1 =	seq.s32 s10, $0x1;
	s10 =	sld [smem:$0x3FBA];
	_ =	sdelay $0x3  }
0x37: {  	[smem:$0x3FBA] =	sst s10  }
0x38: {  	s10 =	sld [smem:$0x3FBB]  }
0x39: {  	_ = 	snop;
	(pc) =	sbr.ind lr, $3  }
0x3a: {  	_ = 	snop  }
0x3b: {  	_ = 	snop  }
0x3c: {  	p2 =	seq.s32 s10, $0x1;
	s10 =	sld [smem:$0x3FBA]  }
0x3d: {  	_ =	shalt  }
0x3e: {  	_ =	shalt  }
0x3f: {  	_ =	shalt  }
0x40: {  	_ =	shalt  }
0x41: {  	_ =	shalt  }
0x42: {  	_ =	shalt  }
0x43: {  	_ =	shalt  }
0x44: {  	_ =	shalt  }
0x45: {  	_ =	shalt  }
0x46: {  	_ =	shalt  }
0x47: {  	_ =	shalt  }
0x48: {  	_ =	shalt  }
0x49: {  	_ =	shalt  }
0x4a: {  	_ =	shalt  }
0x4b: {  	_ =	shalt  }
0x4c: {  	_ =	shalt  }
0x4d: {  	_ =	shalt  }
0x4e: {  	_ =	shalt  }
0x4f: {  	_ =	shalt  }
0x50: {  	_ =	shalt  }
0x51: {  	_ =	shalt  }
0x52: {  	_ =	shalt  }
0x53: {  	_ =	shalt  }
0x54: {  	_ =	shalt  }
0x55: {  	_ =	shalt  }
0x56: {  	_ =	shalt  }
0x57: {  	_ =	shalt  }
0x58: {  	_ =	shalt  }
0x59: {  	_ =	shalt  }
0x5a: {  	_ =	shalt  }
0x5b: {  	_ =	shalt  }
0x5c: {  	_ =	shalt  }
0x5d: {  	_ =	shalt  }
0x5e: {  	_ =	shalt  }
0x5f: {  	_ =	shalt  }
0x60: {  	_ =	shalt  }
0x61: {  	_ =	shalt  }
0x62: {  	_ =	shalt  }
0x63: {  	_ =	shalt  }
0x64: {  	_ =	shalt  }
0x65: {  	_ =	shalt  }
0x66: {  	_ =	shalt  }
0x67: {  	_ =	shalt  }
0x68: {  	_ =	shalt  }
0x69: {  	_ =	shalt  }
0x6a: {  	_ =	shalt  }
0x6b: {  	_ =	shalt  }
0x6c: {  	_ =	shalt  }
0x6d: {  	_ =	shalt  }
0x6e: {  	_ =	shalt  }
0x6f: {  	_ =	shalt  }
0x70: {  	_ =	shalt  }
0x71: {  	_ =	shalt  }
0x72: {  	_ =	shalt  }
0x73: {  	_ =	shalt  }
0x74: {  	_ =	shalt  }
0x75: {  	_ =	shalt  }
0x76: {  	_ =	shalt  }
0x77: {  	_ =	shalt  }
0x78: {  	_ =	shalt  }
0x79: {  	_ =	shalt  }
0x7a: {  	_ =	shalt  }
0x7b: {  	_ =	shalt  }
0x7c: {  	_ =	shalt  }
0x7d: {  	_ =	shalt  }
0x7e: {  	_ =	shalt  }
0x7f: {  	_ =	shalt  }
0x80: {  	_ =	shalt  }
0x81: {  	_ =	shalt  }
0x82: {  	_ =	shalt  }
0x83: {  	_ =	shalt  }
0x84: {  	_ =	shalt  }
0x85: {  	_ =	shalt  }
0x86: {  	_ =	shalt  }
0x87: {  	_ =	shalt  }
.Lfunc_end0:
.L_simem_size_0:
called_computation.1_lowered:
.L_overlay_start_0:
0x88: {  	s2 =	sld [smem:$0x3FD9]  }
0x89: {  	s3 =	sld [smem:$0x3FFE];
	_ =	sdelay $0x1  }
0x8a: {  	s1 =	srdreg.scid  }
0x8b: {  	s0 =	sand.u32 $0x1, s1  }
0x8c: {  	s17 =	sshll.u32 s0, $0xA;
	s2 =	sadd.s32 s3, s2  }
0x8d: {  	s2 =	sadd.s32 s2, s17  }
0x8e: {  	[smem:$0x3FC6] =	sst s2  }
0x8f: {  	_ = 	snop  }
0x90: {  	s2 =	sld [smem:$0x3FD0];
	(tm) =	ssettm $0x1  }
0x91: {  	s18 =	sld [smem:$0x3FFB];
	_ =	sdelay $0x3  }
0x92: {  	_ =	strace s18  }
0x93: {  	s3 =	sld [smem:$0x3FFC];
	_ =	sdelay $0x3  }
0x94: {  	_ =	strace s3  }
0x95: {  	s3 =	sld [smem:$0x3FFD];
	_ =	sdelay $0x3  }
0x96: {  	_ =	strace s3  }
0x97: {  	_ =	strace $0x8FFFFFFF  }
0x98: {  	s19 =	sld [smem:$0x3FDB];
	_ =	sdelay $0x1  }
0x99: {  	s4 =	simm.s32 $_scs_section_size  }
0x9a: {  	s5 =	simm.s32 $_size__tile_overlayer_lowered;
	s6 =	simm.s32 $_tile_overlayer_lowered  }
0x9b: {  	s22 =	simm.s32 $0x1BFF;
	s21 =	sshll.u32 s6, $0x1;
	s3 =	sadd.s32 s4, s19  }
0x9c: {  	s7 =	simm.s32 $0x0;
	s20 =	sshll.u32 s5, $0x1;
	s5 =	sadd.s32 s21, s3  }
0x9d: {  	[timem:s7], [sflag:s22] =	dma.local [hbm:s5], s20  }
0x9e: {  	_ =	swait.ge [sflag:s22], s20  }
0x9f: {  	s4 =	ssub.s32 $0x0, s20;
	[sflag:s22] =	ssyncset.done $0x0  }
0xa0: {  	[sflag:s22] =	ssyncadd.s32 s4;
	_ =	sdelay $0x1  }
0xa1: {  	s23 =	simm.s32 $0x1B8B  }
0xa2: {  	_ =	swait.ge [sflag:s23], $0x1  }
0xa3: {  	[sflag:s23] =	ssyncset.done $0x0  }
0xa4: {  	s25 =	simm.s32 $0x1B8E;
	s24 =	sld [smem:$0x3FFE];
	[sflag:s23] =	ssyncadd.s32 $0xFFFFFFFF  }
0xa5: {  	s26 =	simm.s32 $execute0_lowered;
	[smem:$0x3FD2] =	sst s25  }
0xa6: {  	s5 =	sshll.u32 s26, $0x1;
	_ =	strace $0x80000046;
	[dreg:$0x1] =	wrdreg $0xFFFFFFFF  }
0xa7: {  	s28 =	simm.s32 $_size_execute0_lowered;
	s3 =	sadd.s32 s3, s5;
	[dreg:$0x0] =	wrdreg $0x0  }
0xa8: {  	s5 =	sshll.u32 s28, $0x1;
	[dreg:$0x2] =	wrdreg s3  }
0xa9: {  	[dreg:$0x3] =	wrdreg s5  }
0xaa: {  	[dreg:$0x4] =	wrdreg $0xC0  }
0xab: {  	_ =	task [dreg:s7], $0x5FFFF  }
0xac: {  	[dreg:$0x1] =	wrdreg $0xFFFFFFFF  }
0xad: {  	[dreg:$0x0] =	wrdreg $0x60  }
0xae: {  	[dreg:$0x2] =	wrdreg s24  }
0xaf: {  	[dreg:$0x3] =	wrdreg s2  }
0xb0: {  	[dreg:$0x4] =	wrdreg $0x9  }
0xb1: {  	_ =	task.clear_ibuf [dreg:s7], $0x5FFFF;
	_ =	strace $0x90000046  }
0xb2: {  	s29 =	simm.s32 $0x9;
	_ =	strace $0x80000048  }
0xb3: {  	_ =	swait.ge [sflag:s29], $0x1  }
0xb4: {  	[sflag:s29] =	ssyncadd.s32 $0xFFFFFFFF  }
0xb5: {  	_ =	strace $0x90000048  }
0xb6: {  	_ =	sfence  }
0xb7: {  	s30 =	sld [smem:$0x0];
	_ =	sdelay $0x2  }
0xb8: {  	s31 =	sshll.u32 s1, $0xD;
	s1 =	sshrl.u32 s1, $0x2  }
0xb9: {  	s3 =	sand.u32 $0x4000, s31;
	s1 =	sadd.s32 s1, s30  }
0xba: {  	s0 =	sor.u32 s3, s0;
	s1 =	sshll.u32 s1, $0x11  }
0xbb: {  	s0 =	sor.u32 s1, s0  }
0xbc: {  	s0 =	sadd.s32 $0x8F2B, s0  }
0xbd: {  	[sflag:s0] =	ssyncadd.remote.s32 $0x1  }
0xbe: {  	_ =	sfence.sel $0xFFFF  }
0xbf: {  	[dreg:$0x0] =	wrdreg $0xFFFFFFFF;
	(pc) =	sbr.abs _section_cstart, $3  }
0xc0: {  	[dreg:$0x1] =	wrdreg $0xFFFFFFFF  }
0xc1: {  	_ =	task.clear_ibuf [dreg:s7], $0x2FFFF;
	_ =	strace $0x9FFFFFFF  }
0xc2: {  	(tm) =	ssettm $0x7FFFFFFF  }
0xc3: {  	_ =	shalt  }
tec
execute0_lowered:
.L_overlay_start_1:
0x0: {  	(tag) =	ssettag $0x1  }
0x1: {  	s0 =	srdreg.scid;
	s1 =	rddreg [dreg:$0x0]  }
0x2: {  	s10 =	stileid.u32;
	s6 =	rddreg [dreg:$0x1]  }
0x3: {  	s11 =	simm.s32 $0x6400;
	s12 =	simm.s32 $0x9600;
	s14 =	simm.s32 $0xC800  }
0x4: {  	s16 =	simm.s32 $0xFA00;
	s17 =	simm.s32 $0x320;
	s18 =	simm.s32 $0x12C00  }
0x5: {  	s19 =	simm.s32 $0x3E8;
	s20 =	simm.s32 $0x15E00;
	s21 =	simm.s32 $0x4B0  }
0x6: {  	s22 =	simm.s32 $0x19000;
	s23 =	simm.s32 $0x578;
	s24 =	simm.s32 $0x1C200  }
0x7: {  	s28 =	simm.s32 $0x2;
	s29 =	simm.s32 $0x4;
	s0 =	sand.u32 $0x1, s0  }
0x8: {  	s2 =	sshll.u32 s10, $0x8;
	s10 =	smul.u32 $0x64000, s10;
	s3 =	sshll.u32 s0, $0x7  }
0x9: {  	s7 =	ssub.s32 $0x2, s0;
	s0 =	smul.u32 $0x32000, s0;
	s3 =	sor.u32 s3, s2  }
0xa: {  	s30 =	simm.s32 $0x0;
	s2 =	simm.s32 $0x0;
	s4 =	smul.u32 $0x19, s3  }
0xb: {  	s9 =	sshrl.u32 s7, $0x1;
	s31 =	sadd.s32 s10, s6;
	s5 =	smul.u32 $0x640, s3  }
0xc: {  	s10 =	simm.s32 $0xC8;
	[smem:$0x7FF] =	sst s2;
	s8 =	smul.u32 $0x3200, s3  }
0xd: {  	s3 =	sadd.s32 $0xF42E00, s1;
	s25 =	ssub.s32 s7, s9;
	s0 =	sadd.s32 s0, s31  }
0xe: {  	s9 =	simm.s32 $0x5;
	_ =	strace $0x80000047;
	s7 =	smax.u32 s25, $0x1  }
0xf: {  	s0 =	sadd.s32 $0x3200, s0;
	s25 =	simm.s32 $0x1;
	s26 =	sshrl.u32 s8, $0x3  }
0x10: {  	s4 =	sadd.s32 s4, s1;
	s5 =	sadd.s32 s6, s5;
	s6 =	sadd.s32 s6, s26  }
0x11: {  	s4 =	sadd.s32 $0xA00, s4;
	s26 =	simm.s32 $0x3;
	s6 =	sadd.s32 $0x30700, s6  }
.LBB2_1:
0x12: {  	[tilespmem:s2], [sflag:$0x5] =	stream.linear.gather [hbm4b:s4+s2], $0x6400, $0x38;
	[tilespmem:$0x1F400] =	vst v63  }
0x13: {  	_ =	swait.ge [sflag:s9], $0x6400  }
0x14: {  	[sflag:s9] =	ssyncset.done $0x0  }
0x15: {  	[sflag:s9] =	ssyncadd.s32 $0xFFFF9C00  }
0x16: {  	[tilespmem:s11], [sflag:$0x1] =	stream.indirect.gather [hbm4b:s3+s10], $0x40, s2, s10, $0xb8;
	[tilespmem:$0x1F400] =	vst v63  }
0x17: {  	_ = 	snop  }
0x18: {  	[tilespmem:s12], [sflag:$0x1] =	stream.indirect.gather [hbm4b:s3+s10], $0x40, s10, s10, $0xb8;
	[tilespmem:$0x1F400] =	vst v63  }
0x19: {  	s1 =	simm.s32 $0x190  }
0x1a: {  	[tilespmem:s14], [sflag:$0x1] =	stream.indirect.gather [hbm4b:s3+s10], $0x40, s1, s10, $0xb8;
	[tilespmem:$0x1F400] =	vst v63  }
0x1b: {  	s15 =	simm.s32 $0x258  }
0x1c: {  	[tilespmem:s16], [sflag:$0x1] =	stream.indirect.gather [hbm4b:s3+s10], $0x40, s15, s10, $0xb8;
	[tilespmem:$0x1F400] =	vst v63  }
0x1d: {  	_ = 	snop  }
0x1e: {  	[tilespmem:s18], [sflag:$0x2] =	stream.indirect.gather [hbm4b:s3+s10], $0x40, s17, s10, $0xb8;
	[tilespmem:$0x1F400] =	vst v63  }
0x1f: {  	_ = 	snop  }
0x20: {  	[tilespmem:s20], [sflag:$0x2] =	stream.indirect.gather [hbm4b:s3+s10], $0x40, s19, s10, $0xb8;
	[tilespmem:$0x1F400] =	vst v63  }
0x21: {  	_ = 	snop  }
0x22: {  	[tilespmem:s22], [sflag:$0x2] =	stream.indirect.gather [hbm4b:s3+s10], $0x40, s21, s10, $0xb8;
	[tilespmem:$0x1F400] =	vst v63  }
0x23: {  	_ = 	snop  }
0x24: {  	[tilespmem:s24], [sflag:$0x2] =	stream.indirect.gather [hbm4b:s3+s10], $0x40, s23, s10, $0xb8;
	[tilespmem:$0x1F400] =	vst v63  }
0x25: {  	_ =	swait.ge [sflag:s25], $0xC800  }
0x26: {  	[sflag:s25] =	ssyncset.done $0x0  }
0x27: {  	[sflag:s25] =	ssyncadd.s32 $0xFFFF3800  }
0x28: {  	[hbm4b:s5+s2] =	stream.linear.scatter [tilespmem:s11], [sflag:$0x3], $0xC800, $0x38;
	[tilespmem:$0x1F400] =	vst v63  }
0x29: {  	_ =	swait.ge [sflag:s26], $0xC800  }
0x2a: {  	[sflag:s26] =	ssyncset.done $0x0  }
0x2b: {  	s8 =	simm.s32 $0x640;
	[sflag:s26] =	ssyncadd.s32 $0xFFFF3800  }
0x2c: {  	[tilespmem:s11], [sflag:$0x1] =	stream.indirect.gather [hbm4b:s3+s10], $0x40, s8, s10, $0xb8;
	[tilespmem:$0x1F400] =	vst v63  }
0x2d: {  	s13 =	simm.s32 $0x708  }
0x2e: {  	[tilespmem:s12], [sflag:$0x1] =	stream.indirect.gather [hbm4b:s3+s10], $0x40, s13, s10, $0xb8;
	[tilespmem:$0x1F400] =	vst v63  }
0x2f: {  	s15 =	simm.s32 $0x7D0  }
0x30: {  	[tilespmem:s14], [sflag:$0x1] =	stream.indirect.gather [hbm4b:s3+s10], $0x40, s15, s10, $0xb8;
	[tilespmem:$0x1F400] =	vst v63  }
0x31: {  	s8 =	simm.s32 $0x898  }
0x32: {  	[tilespmem:s16], [sflag:$0x1] =	stream.indirect.gather [hbm4b:s3+s10], $0x40, s8, s10, $0xb8;
	[tilespmem:$0x1F400] =	vst v63  }
0x33: {  	_ =	swait.ge [sflag:s28], $0xC800  }
0x34: {  	[sflag:s28] =	ssyncset.done $0x0  }
0x35: {  	s13 =	sadd.s32 $0xFFFFE700, s0;
	[sflag:s28] =	ssyncadd.s32 $0xFFFF3800  }
0x36: {  	[hbm4b:s13+s2] =	stream.linear.scatter [tilespmem:s18], [sflag:$0x4], $0xC800, $0x38;
	[tilespmem:$0x1F400] =	vst v63  }
0x37: {  	_ =	swait.ge [sflag:s29], $0xC800  }
0x38: {  	[sflag:s29] =	ssyncset.done $0x0  }
0x39: {  	s15 =	simm.s32 $0x960;
	[sflag:s29] =	ssyncadd.s32 $0xFFFF3800  }
0x3a: {  	[tilespmem:s18], [sflag:$0x2] =	stream.indirect.gather [hbm4b:s3+s10], $0x40, s15, s10, $0xb8;
	[tilespmem:$0x1F400] =	vst v63  }
0x3b: {  	s8 =	simm.s32 $0xA28  }
0x3c: {  	[tilespmem:s20], [sflag:$0x2] =	stream.indirect.gather [hbm4b:s3+s10], $0x40, s8, s10, $0xb8;
	[tilespmem:$0x1F400] =	vst v63  }
0x3d: {  	s13 =	simm.s32 $0xAF0  }
0x3e: {  	[tilespmem:s22], [sflag:$0x2] =	stream.indirect.gather [hbm4b:s3+s10], $0x40, s13, s10, $0xb8;
	[tilespmem:$0x1F400] =	vst v63  }
0x3f: {  	s15 =	simm.s32 $0xBB8  }
0x40: {  	[tilespmem:s24], [sflag:$0x2] =	stream.indirect.gather [hbm4b:s3+s10], $0x40, s15, s10, $0xb8;
	[tilespmem:$0x1F400] =	vst v63  }
0x41: {  	_ =	swait.ge [sflag:s25], $0xC800  }
0x42: {  	s31 =	simm.s32 $0x1900;
	[sflag:s25] =	ssyncset.done $0x0  }
0x43: {  	s1 =	sadd.s32 $0x3200, s0;
	s8 =	smov.u32 s0;
	[sflag:s25] =	ssyncadd.s32 $0xFFFF3800  }
.LBB2_2:
0x44: {  	[hbm4b:s8+s2] =	stream.linear.scatter [tilespmem:s11], [sflag:$0x3], $0xC800, $0x38;
	[tilespmem:$0x1F400] =	vst v63  }
0x45: {  	s13 =	smov.u32 s31;
	s8 =	smov.u32 s1  }
0x46: {  	p0 =	sne.s32 s31, $0x15E00;
	s31 =	sadd.s32 $0x1900, s31;
	_ =	swait.ge [sflag:s26], $0xC800  }
0x47: {  	s13 =	sshra.s32 s13, $0x2;
	[sflag:s26] =	ssyncset.done $0x0  }
0x48: {  	s15 =	sadd.s32 $0x640, s13;
	[sflag:s26] =	ssyncadd.s32 $0xFFFF3800  }
0x49: {  	[tilespmem:s11], [sflag:$0x1] =	stream.indirect.gather [hbm4b:s3+s10], $0x40, s15, s10, $0xb8;
	[tilespmem:$0x1F400] =	vst v63  }
0x4a: {  	s15 =	sadd.s32 $0x708, s13  }
0x4b: {  	[tilespmem:s12], [sflag:$0x1] =	stream.indirect.gather [hbm4b:s3+s10], $0x40, s15, s10, $0xb8;
	[tilespmem:$0x1F400] =	vst v63  }
0x4c: {  	s15 =	sadd.s32 $0x7D0, s13  }
0x4d: {  	[tilespmem:s14], [sflag:$0x1] =	stream.indirect.gather [hbm4b:s3+s10], $0x40, s15, s10, $0xb8;
	[tilespmem:$0x1F400] =	vst v63  }
0x4e: {  	s15 =	sadd.s32 $0x898, s13  }
0x4f: {  	[tilespmem:s16], [sflag:$0x1] =	stream.indirect.gather [hbm4b:s3+s10], $0x40, s15, s10, $0xb8;
	[tilespmem:$0x1F400] =	vst v63  }
0x50: {  	_ =	swait.ge [sflag:s28], $0xC800  }
0x51: {  	[sflag:s28] =	ssyncset.done $0x0  }
0x52: {  	s15 =	sadd.s32 $0xFFFFE700, s1;
	[sflag:s28] =	ssyncadd.s32 $0xFFFF3800  }
0x53: {  	[hbm4b:s15+s2] =	stream.linear.scatter [tilespmem:s18], [sflag:$0x4], $0xC800, $0x38;
	[tilespmem:$0x1F400] =	vst v63  }
0x54: {  	_ =	swait.ge [sflag:s29], $0xC800  }
0x55: {  	[sflag:s29] =	ssyncset.done $0x0  }
0x56: {  	s15 =	sadd.s32 $0x960, s13;
	[sflag:s29] =	ssyncadd.s32 $0xFFFF3800  }
0x57: {  	[tilespmem:s18], [sflag:$0x2] =	stream.indirect.gather [hbm4b:s3+s10], $0x40, s15, s10, $0xb8;
	[tilespmem:$0x1F400] =	vst v63  }
0x58: {  	s15 =	sadd.s32 $0xA28, s13  }
0x59: {  	[tilespmem:s20], [sflag:$0x2] =	stream.indirect.gather [hbm4b:s3+s10], $0x40, s15, s10, $0xb8;
	[tilespmem:$0x1F400] =	vst v63  }
0x5a: {  	s15 =	sadd.s32 $0xAF0, s13  }
0x5b: {  	[tilespmem:s22], [sflag:$0x2] =	stream.indirect.gather [hbm4b:s3+s10], $0x40, s15, s10, $0xb8;
	[tilespmem:$0x1F400] =	vst v63  }
.Ltmp0:
0x5c: {  	s13 =	sadd.s32 $0xBB8, s13;
	(pc) =	sbr.rel @p0 .LBB2_2-.Ltmp0, $4  }
0x5d: {  	[tilespmem:s24], [sflag:$0x2] =	stream.indirect.gather [hbm4b:s3+s10], $0x40, s13, s10, $0xb8;
	[tilespmem:$0x1F400] =	vst v63  }
0x5e: {  	_ =	swait.ge [sflag:s25], $0xC800  }
0x5f: {  	[sflag:s25] =	ssyncset.done $0x0  }
0x60: {  	s1 =	sadd.s32 $0x3200, s1;
	[sflag:s25] =	ssyncadd.s32 $0xFFFF3800  }
0x61: {  	[hbm4b:s8+s2] =	stream.linear.scatter [tilespmem:s11], [sflag:$0x3], $0xC800, $0x38;
	[tilespmem:$0x1F400] =	vst v63  }
0x62: {  	_ =	swait.ge [sflag:s28], $0xC800  }
0x63: {  	[sflag:s28] =	ssyncset.done $0x0  }
0x64: {  	s30 =	sadd.s32 $0x1, s30;
	[sflag:s28] =	ssyncadd.s32 $0xFFFF3800  }
0x65: {  	[hbm4b:s6+s2] =	stream.linear.scatter [tilespmem:s18], [sflag:$0x4], $0xC800, $0x38;
	[tilespmem:$0x1F400] =	vst v63  }
0x66: {  	p0 =	sne.s32 s30, s7;
	_ =	swait.ge [sflag:s26], $0xC800  }
.Ltmp1:
0x67: {  	[sflag:s26] =	ssyncset.done $0x0;
	(pc) =	sbr.rel @p0 .LBB2_1-.Ltmp1, $4  }
0x68: {  	[sflag:s26] =	ssyncadd.s32 $0xFFFF3800  }
0x69: {  	_ =	swait.ge [sflag:s29], $0xC800  }
0x6a: {  	[sflag:s29] =	ssyncset.done $0x0  }
0x6b: {  	[sflag:s29] =	ssyncadd.s32 $0xFFFF3800  }
0x6c: {  	_ =	sfence.sel $0x180000  }
0x6d: {  	[bflag:$0x0] =	sbarrier.arrive $0xFFFF  }
0x6e: {  	_ =	strace $0x90000047  }
0x6f: {  	s0 =	stileid.u32;
	[bflag:$0x2] =	sbarrier.arrive $0xFFFF  }
0x70: {  	p0 =	sne.s32 s0, $0x0;
	s0 =	rddreg [dreg:$0x2]  }
0x71: {  	s0 =	sadd.s32 @!p0 $0x100000, s0  }
0x72: {  	[sflag:s0] =	ssyncadd.tile.s32 @!p0 $0x1;
	_ =	shalt  }
.Lfunc_end2:
_tile_overlayer_lowered:
.L_overlay_start_2:
0x73: {  	(tag) =	ssettag $0x2  }
0x74: {  	s0 =	rddreg [dreg:$0x0];
	s2 =	stileid.u32  }
0x75: {  	s1 =	rddreg [dreg:$0x1];
	p0 =	sne.s32 s2, $0x0  }
0x76: {  	s3 =	rddreg [dreg:$0x2];
	[bflag:$0x3] =	sbarrier.arrive $0xFFFF;
	s2 =	simm.s32 @!p0 $0x1C05  }
0x77: {  	[timem:s3], [sflag:s2] =	dma.local @!p0 [hbm:s0], s1  }
0x78: {  	s0 =	simm.s32 @!p0 $0x5  }
0x79: {  	_ =	swait.ge @!p0 [sflag:s0], s1  }
0x7a: {  	s1 =	ssub.s32 @!p0 $0x0, s1;
	[sflag:s0] =	ssyncset.done @!p0 $0x0  }
0x7b: {  	[sflag:s0] =	ssyncadd.s32 @!p0 s1  }
0x7c: {  	[bflag:$0x3] =	sbarrier.arrive $0xFFFF  }
0x7d: {  	_ =	shalt  }

// kernel: sparse-core-data-format-call.cloned.1.call-start
scs
called_computation_lowered:
.L_overlay_start_0:
0x0: {  	s2 =	sld [smem:$0x3FD9]  }
0x1: {  	s3 =	sld [smem:$0x3FFE];
	_ =	sdelay $0x1  }
0x2: {  	s1 =	srdreg.scid  }
0x3: {  	s0 =	sand.u32 $0x1, s1  }
0x4: {  	s18 =	sshll.u32 s0, $0xA;
	s2 =	sadd.s32 s3, s2  }
0x5: {  	s2 =	sadd.s32 s2, s18  }
0x6: {  	[smem:$0x3FC6] =	sst s2  }
0x7: {  	_ = 	snop  }
0x8: {  	s2 =	sld [smem:$0x3FD0];
	(tm) =	ssettm $0x1  }
0x9: {  	s19 =	sld [smem:$0x3FFB];
	_ =	sdelay $0x3  }
0xa: {  	_ =	strace s19  }
0xb: {  	s3 =	sld [smem:$0x3FFC];
	_ =	sdelay $0x3  }
0xc: {  	_ =	strace s3  }
0xd: {  	s3 =	sld [smem:$0x3FFD];
	_ =	sdelay $0x3  }
0xe: {  	_ =	strace s3  }
0xf: {  	_ =	strace $0x8FFFFFFF  }
0x10: {  	s20 =	sld [smem:$0x3FDB];
	_ =	sdelay $0x1  }
0x11: {  	s4 =	simm.s32 $_scs_section_size  }
0x12: {  	s5 =	simm.s32 $_size__tile_overlayer_lowered;
	s6 =	simm.s32 $_tile_overlayer_lowered  }
0x13: {  	s23 =	simm.s32 $0x1BFF;
	s22 =	sshll.u32 s6, $0x1;
	s3 =	sadd.s32 s4, s20  }
0x14: {  	s7 =	simm.s32 $0x0;
	s21 =	sshll.u32 s5, $0x1;
	s5 =	sadd.s32 s22, s3  }
0x15: {  	[timem:s7], [sflag:s23] =	dma.local [hbm:s5], s21  }
0x16: {  	_ =	swait.ge [sflag:s23], s21  }
0x17: {  	s4 =	ssub.s32 $0x0, s21;
	[sflag:s23] =	ssyncset.done $0x0  }
0x18: {  	[sflag:s23] =	ssyncadd.s32 s4;
	_ =	sdelay $0x1  }
0x19: {  	s24 =	simm.s32 $0x1B8B  }
0x1a: {  	_ =	swait.ge [sflag:s24], $0x1  }
0x1b: {  	[sflag:s24] =	ssyncset.done $0x0  }
0x1c: {  	s26 =	simm.s32 $0x1B8E;
	s25 =	sld [smem:$0x3FFE];
	[sflag:s24] =	ssyncadd.s32 $0xFFFFFFFF  }
0x1d: {  	s27 =	simm.s32 $execute0_lowered;
	[smem:$0x3FD2] =	sst s26  }
0x1e: {  	s5 =	sshll.u32 s27, $0x1;
	_ =	strace $0x80000049;
	[dreg:$0x1] =	wrdreg $0xFFFFFFFF  }
0x1f: {  	s28 =	simm.s32 $_size_execute0_lowered;
	s3 =	sadd.s32 s3, s5;
	[dreg:$0x0] =	wrdreg $0x0  }
0x20: {  	s5 =	sshll.u32 s28, $0x1;
	[dreg:$0x2] =	wrdreg s3  }
0x21: {  	[dreg:$0x3] =	wrdreg s5  }
0x22: {  	[dreg:$0x4] =	wrdreg $0xC0  }
0x23: {  	_ =	task [dreg:s7], $0x5FFFF  }
0x24: {  	[dreg:$0x1] =	wrdreg $0xFFFFFFFF  }
0x25: {  	[dreg:$0x0] =	wrdreg $0x60  }
0x26: {  	[dreg:$0x2] =	wrdreg s25  }
0x27: {  	[dreg:$0x3] =	wrdreg s2  }
0x28: {  	[dreg:$0x4] =	wrdreg $0x9  }
0x29: {  	_ =	task.clear_ibuf [dreg:s7], $0x5FFFF;
	_ =	strace $0x90000049  }
0x2a: {  	s29 =	simm.s32 $0x9;
	_ =	strace $0x8000004B  }
0x2b: {  	_ =	swait.ge [sflag:s29], $0x1  }
0x2c: {  	[sflag:s29] =	ssyncadd.s32 $0xFFFFFFFF  }
0x2d: {  	_ =	strace $0x9000004B  }
0x2e: {  	_ =	sfence  }
0x2f: {  	s30 =	sld [smem:$0x0];
	_ =	sdelay $0x2  }
0x30: {  	s31 =	sshll.u32 s1, $0xD;
	s1 =	sshrl.u32 s1, $0x2  }
0x31: {  	s3 =	sand.u32 $0x4000, s31;
	s1 =	sadd.s32 s1, s30  }
0x32: {  	s0 =	sor.u32 s3, s0;
	s1 =	sshll.u32 s1, $0x11  }
0x33: {  	s0 =	sor.u32 s1, s0  }
0x34: {  	s0 =	sadd.s32 $0x8F2B, s0  }
0x35: {  	[sflag:s0] =	ssyncadd.remote.s32 $0x1  }
0x36: {  	_ =	sfence.sel $0xFFFF  }
0x37: {  	[dreg:$0x0] =	wrdreg $0xFFFFFFFF;
	(pc) =	sbr.abs _section_cstart, $3  }
0x38: {  	[dreg:$0x1] =	wrdreg $0xFFFFFFFF  }
0x39: {  	_ =	task.clear_ibuf [dreg:s7], $0x2FFFF;
	_ =	strace $0x9FFFFFFF  }
0x3a: {  	(tm) =	ssettm $0x7FFFFFFF  }
0x3b: {  	_ =	shalt  }
tec
execute0_lowered:
.L_overlay_start_1:
0x0: {  	(tag) =	ssettag $0x1  }
0x1: {  	s0 =	srdreg.scid  }
0x2: {  	s1 =	sshll.u32 s0, $0x4  }
0x3: {  	s0 =	stileid.u32;
	s1 =	sand.u32 $0x10, s1  }
0x4: {  	s1 =	sor.u32 s0, s1  }
0x5: {  	s6 =	rddreg [dreg:$0x0];
	s4 =	simm.s32 $0x1;
	s2 =	sshll.u32 s1, $0x7  }
0x6: {  	s7 =	simm.s32 $0x2;
	s12 =	simm.s32 $0x0;
	s1 =	ssub.s32 $0x1000, s2  }
0x7: {  	s8 =	simm.s32 $0x8000;
	s13 =	simm.s32 $0x0;
	s3 =	sand.u32 $0xF80, s1  }
0x8: {  	s9 =	simm.s32 $0x0;
	s5 =	sshrl.u32 s1, $0xC;
	p0 =	sne.s32 s3, $0x0  }
.Ltmp0:
0x9: {  	s1 =	rddreg [dreg:$0x2];
	s4 =	simm.s32 @!p0 $0x0;
	(pc) =	sbr.rel .LBB1_1-.Ltmp0, $4  }
0xa: {  	s11 =	simm.s32 $0x0;
	s3 =	rddreg [dreg:$0x1];
	s5 =	sadd.s32 s4, s5  }
0xb: {  	_ =	strace $0x8000004A;
	s4 =	simm.s32 $0x1;
	s5 =	smul.u32 $0xC8, s5  }
0xc: {  	s6 =	sadd.s32 $0xA00, s6;
	s10 =	smov.u32 s2;
	[sflag:s4] =	ssyncpa.u1 $0x0  }
0xd: {  	p0 =	por $0x0, $0x0;
	[sflag:s7] =	ssyncpa.u1 $0x0;
	s7 =	sor.u32 $0x1, s5  }
.LBB1_4:
0xe: {  	s16 =	sshll.u32 s13, $0x3;
	s17 =	sand.u32 $0x78, s13  }
0xf: {  	s30 =	sand.u32 $0x7E00, s13;
	s12 =	sshll.u32 s12, $0xF;
	s16 =	sand.u32 $0xC00, s16  }
0x10: {  	[tilespmem:s15+$0x810 ss:$0x81] =	vst.msk $0xffff, v2;
	s31 =	sand.u32 $0x7, s13;
	s16 =	sor.u32 s17, s16;
	s17 =	sadd.s32 s3, s30  }
0x11: {  	[tilespmem:s15+$0x1020 ss:$0x81] =	vst.msk $0xffff, v0;
	s13 =	sshll.u32 s31, $0x12;
	s12 =	sadd.s32 s12, s17;
	s16 =	sshrl.u32 s16, $0x3  }
0x12: {  	[tilespmem:s15+$0x0 ss:$0x81] =	vst.msk $0xffff, v1;
	s13 =	sor.u32 $0x400, s13;
	s12 =	sadd.s32 s16, s12  }
0x13: {  	[hbm4b:s12+s13] =	stream.strided.scatter [tilespmem:s14], [sflag:$0x2], $0x2000, s8, s13, $0x20;
	[tilespmem:$0x8080] =	vst v63  }
.LBB1_5:
0x14: {  	s14 =	sadd.s32 $0x1, s9  }
0x15: {  	s12 =	sadd.s32 $0x1000, s10;
	s16 =	smov.u32 s10;
	p2 =	sgt.s32 s14, $0xC7  }
0x16: {  	s16 =	smov.u32 @p2 s12  }
0x17: {  	s14 =	simm.s32 @p2 $0x0;
	p2 =	sgt.s32 s16, $0xFFF  }
0x18: {  	s16 =	smov.u32 @p2 s2;
	p2 =	sne.s32 s11, s7  }
.Ltmp1:
0x19: {  	p1 =	slt.u32 s11, $0x2;
	(pc) =	sbr.rel @!p2 .LBB1_6-.Ltmp1, $4  }
0x1a: {  	s15 =	simm.s32 @!p1 $0x2  }
0x1b: {  	s13 =	smov.u32 s10;
	p0 =	por !p0, !p0;
	_ =	swait.ge @!p1 [sflag:s15], $0x2000  }
0x1c: {  	s12 =	smov.u32 s9;
	[sflag:s15] =	ssyncset.done @!p1 $0x0;
	s9 =	smov.u32 s14  }
0x1d: {  	s11 =	sadd.s32 $0x1, s11;
	[sflag:s15] =	ssyncadd.s32 @!p1 $0xFFFFE000;
	s10 =	smov.u32 s16  }
.LBB1_1:
0x1e: {  	p1 =	sge.u32 s11, s5  }
0x1f: {  	s14 =	sand.u32 @!p1 $0x1FFFFFF, s9  }
0x20: {  	s15 =	smulhi.u32 @!p1 $0x147AE15, s14;
	_ =	sdelay $0x1  }
0x21: {  	s15 =	smul.u32 @!p1 $0xC8, s15  }
0x22: {  	s16 =	sxor.u32 @!p1 $0xFFFFFFFF, s11;
	s17 =	smul.u32 @!p1 $0xC80, s10  }
0x23: {  	s31 =	sadd.s32 $0xFFFFFFFF, s11;
	s16 =	sshll.u32 @!p1 s16, $0xD;
	s14 =	ssub.s32 @!p1 s14, s15  }
0x24: {  	s15 =	sand.u32 @!p1 $0x2000, s16;
	s16 =	sadd.s32 @!p1 s6, s17;
	s14 =	sshll.u32 @!p1 s14, $0x4  }
0x25: {  	s17 =	simm.s32 @!p1 $0x6400;
	s14 =	sadd.s32 @!p1 s14, s16;
	s16 =	simm.s32 @!p1 $0x40  }
0x26: {  	[tilespmem:s15], [sflag:$0x1] =	stream.strided.gather @!p1 [hbm4b:s14+s16], $0x2000, s17, s16, $0x38;
	[tilespmem:$0x8080] =	vst v63  }
0x27: {  	p1 =	sge.u32 s31, s5  }
.Ltmp2:
0x28: {  	_ = 	snop;
	(pc) =	sbr.rel @p1 .LBB1_5-.Ltmp2, $1  }
0x29: {  	_ =	sdelay $0x3  }
0x2a: {  	s14 =	simm.s32 $0x1  }
0x2b: {  	_ =	swait.ge [sflag:s4], $0x2000;
	s14 =	simm.s32 @!p0 $0x0  }
0x2c: {  	[sflag:s4] =	ssyncset.done $0x0;
	s15 =	sshll.u32 s14, $0xD  }
0x2d: {  	[sflag:s4] =	ssyncadd.s32 $0xFFFFE000;
	s18 =	sor.u32 $0x20, s15  }
0x2e: {  	s14 =	smul.u32 $0x8100, s14;
	v3 =	vld [tilespmem:s18+$0x10]  }
0x2f: {  	s30 =	sand.u32 $0x1, s11;
	v2 =	vld [tilespmem:s18+$0xFFFFFFF0]  }
0x30: {  	s15 =	smul.u32 $0x8100, s30;
	s14 =	sshrl.u32 s14, $0x2;
	v0 =	vld [tilespmem:s18+$0x0]  }
0x31: {  	v1 =	vld [tilespmem:s18+$0xFFFFFFE0];
	s16 =	sor.u32 $0x4000, s14  }
0x32: {  	s31 =	sshrl.u32 s15, $0x2;
	s15 =	sadd.s32 $0x0, s16  }
0x33: {  	s17 =	simm.s32 $0x4;
	s18 =	sadd.s32 $0x40, s18;
	s14 =	sor.u32 $0x4000, s31;
	[tilespmem:s15+$0x1830 ss:$0x81] =	vst.msk $0xffff, v3  }
.LBB1_3:
0x34: {  	v3 =	vld [tilespmem:s18+$0x10];
	p1 =	sne.s32 s17, $0x1FC;
	[tilespmem:s15+$0x810 ss:$0x81] =	vst.msk $0xffff, v2;
	s19 =	smov.u32 s17;
	s17 =	sadd.s32 $0x4, s17  }
.Ltmp3:
0x35: {  	v2 =	vld [tilespmem:s18+$0xFFFFFFF0];
	[tilespmem:s15+$0x1020 ss:$0x81] =	vst.msk $0xffff, v0;
	(pc) =	sbr.rel @p1 .LBB1_3-.Ltmp3, $4  }
0x36: {  	v0 =	vld [tilespmem:s18+$0x0];
	[tilespmem:s15+$0x0 ss:$0x81] =	vst.msk $0xffff, v1  }
0x37: {  	s15 =	sshra.s32 s19, $0x2;
	v1 =	vld [tilespmem:s18+$0xFFFFFFE0]  }
0x38: {  	s15 =	sadd.s32 s15, s16  }
0x39: {  	s18 =	sadd.s32 $0x40, s18;
	[tilespmem:s15+$0x1830 ss:$0x81] =	vst.msk $0xffff, v3  }
.Ltmp4:
0x3a: {  	_ = 	snop;
	(pc) =	sbr.rel .LBB1_4-.Ltmp4, $1  }
0x3b: {  	_ =	sdelay $0x3  }
.LBB1_6:
0x3c: {  	_ =	sfence.sel $0x180000  }
0x3d: {  	s2 =	simm.s32 $0x1;
	[bflag:$0x0] =	sbarrier.arrive $0xFFFF  }
0x3e: {  	s31 =	simm.s32 $0x2;
	[sflag:s2] =	ssyncpa.u1 $0x1  }
0x3f: {  	[sflag:s31] =	ssyncpa.u1 $0x1  }
0x40: {  	p0 =	sne.s32 s0, $0x0;
	_ =	strace $0x9000004A  }
0x41: {  	s0 =	sadd.s32 @!p0 $0x100000, s1;
	[bflag:$0x2] =	sbarrier.arrive $0xFFFF  }
0x42: {  	[sflag:s0] =	ssyncadd.tile.s32 @!p0 $0x1;
	_ =	shalt  }
.Lfunc_end1:
_tile_overlayer_lowered:
.L_overlay_start_2:
0x43: {  	(tag) =	ssettag $0x2  }
0x44: {  	s0 =	rddreg [dreg:$0x0];
	s2 =	stileid.u32  }
0x45: {  	s1 =	rddreg [dreg:$0x1];
	p0 =	sne.s32 s2, $0x0  }
0x46: {  	s3 =	rddreg [dreg:$0x2];
	[bflag:$0x3] =	sbarrier.arrive $0xFFFF;
	s2 =	simm.s32 @!p0 $0x1C01  }
0x47: {  	[timem:s3], [sflag:s2] =	dma.local @!p0 [hbm:s0], s1  }
0x48: {  	s0 =	simm.s32 @!p0 $0x1  }
0x49: {  	_ =	swait.ge @!p0 [sflag:s0], s1  }
0x4a: {  	s1 =	ssub.s32 @!p0 $0x0, s1;
	[sflag:s0] =	ssyncset.done @!p0 $0x0  }
0x4b: {  	[sflag:s0] =	ssyncadd.s32 @!p0 s1  }
0x4c: {  	[bflag:$0x3] =	sbarrier.arrive $0xFFFF  }
0x4d: {  	_ =	shalt  }

</sc_bundles>
